<compile_context>
chip_gen: v7x
topology: tpu7x:2x2x1
jax: 0.10.2.dev20260603
libtpu: 0.0.44.dev20260713+nightly
codegen_flags: <defaults>
</compile_context>

<pallas_src>
import functools

import jax
import jax.numpy as jnp
from jax import lax
from jax.experimental import pallas as pl
from jax.experimental.pallas import tpu as pltpu
from jax.experimental.pallas import tpu_sc as plsc

_H = 128
_SEGMENTS = 2
_TILE = 12800


@functools.lru_cache(maxsize=None)
def _make_gather(num_tokens, seg, s):
    info = plsc.get_sparse_core_info()
    nc, ns = info.num_cores, info.num_subcores
    nw = nc * ns
    assert seg % nw == 0
    b_per_w = seg // nw
    chunk = 400
    assert b_per_w % chunk == 0
    n_chunks = b_per_w // chunk
    mesh = plsc.VectorSubcoreMesh(core_axis_name="c", subcore_axis_name="s")

    @functools.partial(
        pl.kernel,
        mesh=mesh,
        out_type=jax.ShapeDtypeStruct((seg, _H), jnp.float32),
        scratch_types=[
            pltpu.VMEM((chunk,), jnp.int32),
            pltpu.VMEM((chunk,), jnp.int32),
            pltpu.VMEM((chunk, _H), jnp.float32),
            pltpu.VMEM((chunk, _H), jnp.float32),
            pltpu.SemaphoreType.DMA,
            pltpu.SemaphoreType.DMA,
            pltpu.SemaphoreType.DMA,
            pltpu.SemaphoreType.DMA,
            pltpu.SemaphoreType.DMA,
            pltpu.SemaphoreType.DMA,
        ],
    )
    def gather(table_hbm, ids_hbm, out_hbm, idx0, idx1, rows0, rows1,
               isem0, isem1, gsem0, gsem1, wsem0, wsem1):
        wid = lax.axis_index("s") * nc + lax.axis_index("c")
        base = wid * b_per_w
        idxs = (idx0, idx1)
        bufs = (rows0, rows1)
        isems = (isem0, isem1)
        gsems = (gsem0, gsem1)
        wsems = (wsem0, wsem1)
        ih = [None] * n_chunks
        gh = [None] * n_chunks
        wh = [None] * n_chunks

        def start_i(i):
            ih[i] = pltpu.async_copy(
                ids_hbm.at[pl.ds(s * seg + base + i * chunk, chunk)],
                idxs[i % 2], isems[i % 2])

        def start_g(i):
            gh[i] = pltpu.async_copy(
                table_hbm.at[idxs[i % 2]], bufs[i % 2], gsems[i % 2])

        def start_w(i):
            wh[i] = pltpu.async_copy(
                bufs[i % 2], out_hbm.at[pl.ds(base + i * chunk, chunk)],
                wsems[i % 2])

        start_i(0)
        ih[0].wait()
        start_g(0)
        if n_chunks > 1:
            start_i(1)
        for i in range(n_chunks):
            gh[i].wait()
            if i >= 1:
                wh[i - 1].wait()
            if i + 2 < n_chunks:
                start_i(i + 2)
            if i + 1 < n_chunks:
                ih[i + 1].wait()
                start_g(i + 1)
            start_w(i)
        wh[n_chunks - 1].wait()

    return gather


def _mm_body(seqt_ref, g_ref, wf_ref, bf_ref, wc_ref, bc_ref, *rest):
    out_ref, weff_ref, beff_ref = rest[-3], rest[-2], rest[-1]
    wtop = wc_ref[:_H, :]

    @pl.when(pl.program_id(0) == 0)
    def _fold_weights():
        weff_ref[...] = lax.dot(
            wf_ref[...], wtop, precision=lax.Precision.HIGHEST,
            preferred_element_type=jnp.float32)
        beff_ref[...] = lax.dot(
            bf_ref[...], wtop, precision=lax.Precision.HIGHEST,
            preferred_element_type=jnp.float32) + bc_ref[...]

    wbot = wc_ref[_H:, :]
    out_ref[...] = (
        lax.dot_general(seqt_ref[...], weff_ref[:7, :],
                        (((0,), (0,)), ((), ())),
                        precision=lax.Precision.DEFAULT,
                        preferred_element_type=jnp.float32)
        + lax.dot(g_ref[...], wbot,
                  preferred_element_type=jnp.float32)
        + beff_ref[...])


def _fused_matmul_seg(seqt, g, wf8, bf2, W_cat, bc2, out_prev, s):
    t = seqt.shape[1]
    seg = g.shape[0]
    assert seg % _TILE == 0
    n_tiles = seg // _TILE
    off = s * n_tiles
    in_specs = [
        pl.BlockSpec((7, _TILE), lambda i: (0, off + i)),
        pl.BlockSpec((_TILE, _H), lambda i: (i, 0)),
        pl.BlockSpec((8, _H), lambda i: (0, 0)),
        pl.BlockSpec((1, _H), lambda i: (0, 0)),
        pl.BlockSpec((2 * _H, _H), lambda i: (0, 0)),
        pl.BlockSpec((1, _H), lambda i: (0, 0)),
    ]
    inputs = [seqt, g, wf8, bf2, W_cat, bc2]
    io_aliases = {}
    if s > 0:
        inputs.append(out_prev)
        in_specs.append(pl.BlockSpec(memory_space=pl.ANY))
        io_aliases = {6: 0}
    return pl.pallas_call(
        _mm_body,
        grid=(n_tiles,),
        in_specs=in_specs,
        out_specs=pl.BlockSpec((_TILE, _H), lambda i: (off + i, 0)),
        out_shape=jax.ShapeDtypeStruct((t, _H), jnp.float32),
        scratch_shapes=[
            pltpu.VMEM((8, _H), jnp.float32),
            pltpu.VMEM((1, _H), jnp.float32),
        ],
        input_output_aliases=io_aliases,
        compiler_params=pltpu.CompilerParams(
            dimension_semantics=("arbitrary",)),
    )(*inputs)


def kernel(input_sequence, emb_table, W_feat, b_feat, W_cat, b_cat):
    b, l, c = input_sequence.shape
    t = b * l
    seg = t // _SEGMENTS
    seq2 = input_sequence.reshape(t, c)
    ids = seq2[:, 0].astype(jnp.int32)
    seqt = seq2.T
    wf8 = jnp.concatenate(
        [jnp.zeros((1, _H), jnp.float32), W_feat,
         jnp.zeros((1, _H), jnp.float32)], axis=0)
    bf2 = b_feat.reshape(1, _H)
    bc2 = b_cat.reshape(1, _H)
    out = None
    for s in range(_SEGMENTS):
        g = _make_gather(t, seg, s)(emb_table, ids)
        out = _fused_matmul_seg(seqt, g, wf8, bf2, W_cat, bc2, out, s)
    return out.reshape(b, l, _H)

# --- scband reference (transcript-rebuilt; emitter-appended) ---
"""Pipeline reference for scband-musical-embeddings-46557445489264 (READ-ONLY COPY).

The authoritative reference and input builder live on the scoring server;
editing this copy changes nothing except your own understanding.
"""

import jax, jax.numpy as jnp
import numpy as np

NUM_TOKENS = 100000
NUM_FEATS = 6
HIDDEN = 128
B, L = 1024, 200


def setup_inputs(seed: int = 0) -> dict:
    key = jax.random.key(seed)
    k0, k1, k2, k3, k4, k5 = jax.random.split(key, 6)
    # input_sequence: channel 0 = token ids, channels 1:7 = continuous features
    input_sequence = jax.random.randint(k0, (B, L, 7), 0, NUM_TOKENS).astype(jnp.float32)
    emb_table = jax.random.normal(k1, (NUM_TOKENS, HIDDEN), dtype=jnp.float32)
    W_feat = jax.random.normal(k2, (NUM_FEATS, HIDDEN), dtype=jnp.float32) * (1.0 / np.sqrt(NUM_FEATS))
    b_feat = jax.random.normal(k3, (HIDDEN,), dtype=jnp.float32) * 0.01
    W_cat = jax.random.normal(k4, (2 * HIDDEN, HIDDEN), dtype=jnp.float32) * (1.0 / np.sqrt(2 * HIDDEN))
    b_cat = jax.random.normal(k5, (HIDDEN,), dtype=jnp.float32) * 0.01
    return {
        "input_sequence": input_sequence,
        "emb_table": emb_table,
        "W_feat": W_feat,
        "b_feat": b_feat,
        "W_cat": W_cat,
        "b_cat": b_cat,
    }


def reference(input_sequence, emb_table, W_feat, b_feat, W_cat, b_cat):
    # ids from channel 0 (cast to int, as in torch .int())
    ids = input_sequence[:, :, 0].astype(jnp.int32)
    # continuous features from channels 1:7
    feature_arr = input_sequence[:, :, 1:7].astype(jnp.float32)
    # linear on features
    feature_emb = feature_arr @ W_feat + b_feat
    # embedding lookup (gather)
    token_emb = jnp.take(emb_table, ids, axis=0)
    # concat + merge linear
    concat_emb = jnp.concatenate([feature_emb, token_emb], axis=-1)
    merged_emb = concat_emb @ W_cat + b_cat
    return merged_emb

if __name__ == "__main__":
    import jax
    _d = setup_inputs()
    print(jax.jit(kernel)(*tuple(_d.values())))

</pallas_src>

<mosaic_0001>
#map = affine_map<(d0, d1) -> (0, 0)>
#map1 = affine_map<(d0, d1) -> (0)>
module attributes {stable_mosaic.version = 14 : i64} {
  func.func @gather(%arg0: i32, %arg1: i32, %arg2: memref<100000x128xf32, #tpu.memory_space<hbm>>, %arg3: memref<204800xi32, #tpu.memory_space<hbm>>, %arg4: memref<102400x128xf32, #tpu.memory_space<hbm>>, %arg5: memref<400xi32, #tpu.memory_space<vmem>>, %arg6: memref<400xi32, #tpu.memory_space<vmem>>, %arg7: memref<400x128xf32, #tpu.memory_space<vmem>>, %arg8: memref<400x128xf32, #tpu.memory_space<vmem>>, %arg9: memref<!tpu.dma_semaphore, #tpu.memory_space<semaphore_mem>>, %arg10: memref<!tpu.dma_semaphore, #tpu.memory_space<semaphore_mem>>, %arg11: memref<!tpu.dma_semaphore, #tpu.memory_space<semaphore_mem>>, %arg12: memref<!tpu.dma_semaphore, #tpu.memory_space<semaphore_mem>>, %arg13: memref<!tpu.dma_semaphore, #tpu.memory_space<semaphore_mem>>, %arg14: memref<!tpu.dma_semaphore, #tpu.memory_space<semaphore_mem>>) attributes {dimension_semantics = [#tpu.dimension_semantics<core_parallel>, #tpu.dimension_semantics<subcore_parallel>], iteration_bounds = array<i64: 2, 16>, scalar_prefetch = 0 : i64, scratch_operands = 10 : i64, tpu.core_type = #tpu.core_type<sc_vector_subcore>, window_params = [{transform_indices = #map}, {transform_indices = #map1}, {transform_indices = #map}]} {
    %mul3A = arith.constant 2 : i32
    %mul3A_0 = arith.muli %arg1, %mul3A : i32
    %add3A = arith.addi %mul3A_0, %arg0 : i32
    %mul3A_1 = arith.constant 3200 : i32
    %mul3A_2 = arith.muli %add3A, %mul3A_1 : i32
    %add3A_3 = arith.constant 102400 : i32
    %add3A_4 = arith.addi %add3A_3, %mul3A_2 : i32
    %add3A_5 = arith.constant 0 : i32
    %add3A_6 = arith.addi %add3A_4, %add3A_5 : i32
    %dma_start3A = tpu.memref_slice %arg3[%add3A_6] : memref<204800xi32, #tpu.memory_space<hbm>> -> memref<400xi32, #tpu.memory_space<hbm>>
    %dma_start3A_7 = tpu.memref_slice %arg3[%add3A_6] : memref<204800xi32, #tpu.memory_space<hbm>> -> memref<400xi32, #tpu.memory_space<hbm>>
    tpu.enqueue_dma source(%dma_start3A_7 : memref<400xi32, #tpu.memory_space<hbm>>) target(%arg5 : memref<400xi32, #tpu.memory_space<vmem>>) target_semaphore(%arg9 : memref<!tpu.dma_semaphore, #tpu.memory_space<semaphore_mem>>)
    %dma_wait3A = tpu.memref_slice %arg3[%add3A_6] : memref<204800xi32, #tpu.memory_space<hbm>> -> memref<400xi32, #tpu.memory_space<hbm>>
    %dma_wait3A_8 = tpu.memref_slice %arg3[%add3A_6] : memref<204800xi32, #tpu.memory_space<hbm>> -> memref<400xi32, #tpu.memory_space<hbm>>
    tpu.wait_dma2 semaphore(%arg9 : memref<!tpu.dma_semaphore, #tpu.memory_space<semaphore_mem>>) src(%dma_wait3A_8 : memref<400xi32, #tpu.memory_space<hbm>>) dst(%arg5 : memref<400xi32, #tpu.memory_space<vmem>>)
    %dma_start3A_9 = arith.constant 0 : i32
    %dma_start3A_10 = arith.constant 0 : i32
    %dma_start3A_11 = tpu.memref_slice %arg2[%dma_start3A_9, %dma_start3A_10] : memref<100000x128xf32, #tpu.memory_space<hbm>> -> memref<100000x128xf32, #tpu.memory_space<hbm>>
    tpu.enqueue_indirect_dma source(%dma_start3A_11 : memref<100000x128xf32, #tpu.memory_space<hbm>>) target(%arg7 : memref<400x128xf32, #tpu.memory_space<vmem>>) offsets(%arg5 : memref<400xi32, #tpu.memory_space<vmem>>) semaphore(%arg11 : memref<!tpu.dma_semaphore, #tpu.memory_space<semaphore_mem>>)
    %add3A_12 = arith.constant 102400 : i32
    %add3A_13 = arith.addi %add3A_12, %mul3A_2 : i32
    %add3A_14 = arith.constant 400 : i32
    %add3A_15 = arith.addi %add3A_13, %add3A_14 : i32
    %dma_start3A_16 = tpu.memref_slice %arg3[%add3A_15] : memref<204800xi32, #tpu.memory_space<hbm>> -> memref<400xi32, #tpu.memory_space<hbm>>
    %dma_start3A_17 = tpu.memref_slice %arg3[%add3A_15] : memref<204800xi32, #tpu.memory_space<hbm>> -> memref<400xi32, #tpu.memory_space<hbm>>
    tpu.enqueue_dma source(%dma_start3A_17 : memref<400xi32, #tpu.memory_space<hbm>>) target(%arg6 : memref<400xi32, #tpu.memory_space<vmem>>) target_semaphore(%arg10 : memref<!tpu.dma_semaphore, #tpu.memory_space<semaphore_mem>>)
    %dma_wait3A_18 = arith.constant 0 : i32
    %dma_wait3A_19 = arith.constant 0 : i32
    %dma_wait3A_20 = tpu.memref_slice %arg2[%dma_wait3A_18, %dma_wait3A_19] : memref<100000x128xf32, #tpu.memory_space<hbm>> -> memref<100000x128xf32, #tpu.memory_space<hbm>>
    tpu.wait_indirect_dma semaphore(%arg11 : memref<!tpu.dma_semaphore, #tpu.memory_space<semaphore_mem>>) src(%dma_wait3A_20 : memref<100000x128xf32, #tpu.memory_space<hbm>>) dst(%arg7 : memref<400x128xf32, #tpu.memory_space<vmem>>)
    %add3A_21 = arith.constant 102400 : i32
    %add3A_22 = arith.addi %add3A_21, %mul3A_2 : i32
    %add3A_23 = arith.constant 800 : i32
    %add3A_24 = arith.addi %add3A_22, %add3A_23 : i32
    %dma_start3A_25 = tpu.memref_slice %arg3[%add3A_24] : memref<204800xi32, #tpu.memory_space<hbm>> -> memref<400xi32, #tpu.memory_space<hbm>>
    %dma_start3A_26 = tpu.memref_slice %arg3[%add3A_24] : memref<204800xi32, #tpu.memory_space<hbm>> -> memref<400xi32, #tpu.memory_space<hbm>>
    tpu.enqueue_dma source(%dma_start3A_26 : memref<400xi32, #tpu.memory_space<hbm>>) target(%arg5 : memref<400xi32, #tpu.memory_space<vmem>>) target_semaphore(%arg9 : memref<!tpu.dma_semaphore, #tpu.memory_space<semaphore_mem>>)
    %dma_wait3A_27 = tpu.memref_slice %arg3[%add3A_15] : memref<204800xi32, #tpu.memory_space<hbm>> -> memref<400xi32, #tpu.memory_space<hbm>>
    %dma_wait3A_28 = tpu.memref_slice %arg3[%add3A_15] : memref<204800xi32, #tpu.memory_space<hbm>> -> memref<400xi32, #tpu.memory_space<hbm>>
    tpu.wait_dma2 semaphore(%arg10 : memref<!tpu.dma_semaphore, #tpu.memory_space<semaphore_mem>>) src(%dma_wait3A_28 : memref<400xi32, #tpu.memory_space<hbm>>) dst(%arg6 : memref<400xi32, #tpu.memory_space<vmem>>)
    %dma_start3A_29 = arith.constant 0 : i32
    %dma_start3A_30 = arith.constant 0 : i32
    %dma_start3A_31 = tpu.memref_slice %arg2[%dma_start3A_29, %dma_start3A_30] : memref<100000x128xf32, #tpu.memory_space<hbm>> -> memref<100000x128xf32, #tpu.memory_space<hbm>>
    tpu.enqueue_indirect_dma source(%dma_start3A_31 : memref<100000x128xf32, #tpu.memory_space<hbm>>) target(%arg8 : memref<400x128xf32, #tpu.memory_space<vmem>>) offsets(%arg6 : memref<400xi32, #tpu.memory_space<vmem>>) semaphore(%arg12 : memref<!tpu.dma_semaphore, #tpu.memory_space<semaphore_mem>>)
    %add3A_32 = arith.constant 0 : i32
    %add3A_33 = arith.addi %mul3A_2, %add3A_32 : i32
    %dma_start3A_34 = arith.constant 0 : i32
    %dma_start3A_35 = tpu.memref_slice %arg4[%add3A_33, %dma_start3A_34] : memref<102400x128xf32, #tpu.memory_space<hbm>> -> memref<400x128xf32, #tpu.memory_space<hbm>>
    %dma_start3A_36 = arith.constant 0 : i32
    %dma_start3A_37 = tpu.memref_slice %arg4[%add3A_33, %dma_start3A_36] : memref<102400x128xf32, #tpu.memory_space<hbm>> -> memref<400x128xf32, #tpu.memory_space<hbm>>
    tpu.enqueue_dma source(%arg7 : memref<400x128xf32, #tpu.memory_space<vmem>>) target(%dma_start3A_37 : memref<400x128xf32, #tpu.memory_space<hbm>>) target_semaphore(%arg13 : memref<!tpu.dma_semaphore, #tpu.memory_space<semaphore_mem>>)
    %dma_wait3A_38 = arith.constant 0 : i32
    %dma_wait3A_39 = arith.constant 0 : i32
    %dma_wait3A_40 = tpu.memref_slice %arg2[%dma_wait3A_38, %dma_wait3A_39] : memref<100000x128xf32, #tpu.memory_space<hbm>> -> memref<100000x128xf32, #tpu.memory_space<hbm>>
    tpu.wait_indirect_dma semaphore(%arg12 : memref<!tpu.dma_semaphore, #tpu.memory_space<semaphore_mem>>) src(%dma_wait3A_40 : memref<100000x128xf32, #tpu.memory_space<hbm>>) dst(%arg8 : memref<400x128xf32, #tpu.memory_space<vmem>>)
    %dma_wait3A_41 = arith.constant 0 : i32
    %dma_wait3A_42 = tpu.memref_slice %arg4[%add3A_33, %dma_wait3A_41] : memref<102400x128xf32, #tpu.memory_space<hbm>> -> memref<400x128xf32, #tpu.memory_space<hbm>>
    %dma_wait3A_43 = arith.constant 0 : i32
    %dma_wait3A_44 = tpu.memref_slice %arg4[%add3A_33, %dma_wait3A_43] : memref<102400x128xf32, #tpu.memory_space<hbm>> -> memref<400x128xf32, #tpu.memory_space<hbm>>
    tpu.wait_dma2 semaphore(%arg13 : memref<!tpu.dma_semaphore, #tpu.memory_space<semaphore_mem>>) src(%arg7 : memref<400x128xf32, #tpu.memory_space<vmem>>) dst(%dma_wait3A_44 : memref<400x128xf32, #tpu.memory_space<hbm>>)
    %add3A_45 = arith.constant 102400 : i32
    %add3A_46 = arith.addi %add3A_45, %mul3A_2 : i32
    %add3A_47 = arith.constant 1200 : i32
    %add3A_48 = arith.addi %add3A_46, %add3A_47 : i32
    %dma_start3A_49 = tpu.memref_slice %arg3[%add3A_48] : memref<204800xi32, #tpu.memory_space<hbm>> -> memref<400xi32, #tpu.memory_space<hbm>>
    %dma_start3A_50 = tpu.memref_slice %arg3[%add3A_48] : memref<204800xi32, #tpu.memory_space<hbm>> -> memref<400xi32, #tpu.memory_space<hbm>>
    tpu.enqueue_dma source(%dma_start3A_50 : memref<400xi32, #tpu.memory_space<hbm>>) target(%arg6 : memref<400xi32, #tpu.memory_space<vmem>>) target_semaphore(%arg10 : memref<!tpu.dma_semaphore, #tpu.memory_space<semaphore_mem>>)
    %dma_wait3A_51 = tpu.memref_slice %arg3[%add3A_24] : memref<204800xi32, #tpu.memory_space<hbm>> -> memref<400xi32, #tpu.memory_space<hbm>>
    %dma_wait3A_52 = tpu.memref_slice %arg3[%add3A_24] : memref<204800xi32, #tpu.memory_space<hbm>> -> memref<400xi32, #tpu.memory_space<hbm>>
    tpu.wait_dma2 semaphore(%arg9 : memref<!tpu.dma_semaphore, #tpu.memory_space<semaphore_mem>>) src(%dma_wait3A_52 : memref<400xi32, #tpu.memory_space<hbm>>) dst(%arg5 : memref<400xi32, #tpu.memory_space<vmem>>)
    %dma_start3A_53 = arith.constant 0 : i32
    %dma_start3A_54 = arith.constant 0 : i32
    %dma_start3A_55 = tpu.memref_slice %arg2[%dma_start3A_53, %dma_start3A_54] : memref<100000x128xf32, #tpu.memory_space<hbm>> -> memref<100000x128xf32, #tpu.memory_space<hbm>>
    tpu.enqueue_indirect_dma source(%dma_start3A_55 : memref<100000x128xf32, #tpu.memory_space<hbm>>) target(%arg7 : memref<400x128xf32, #tpu.memory_space<vmem>>) offsets(%arg5 : memref<400xi32, #tpu.memory_space<vmem>>) semaphore(%arg11 : memref<!tpu.dma_semaphore, #tpu.memory_space<semaphore_mem>>)
    %add3A_56 = arith.constant 400 : i32
    %add3A_57 = arith.addi %mul3A_2, %add3A_56 : i32
    %dma_start3A_58 = arith.constant 0 : i32
    %dma_start3A_59 = tpu.memref_slice %arg4[%add3A_57, %dma_start3A_58] : memref<102400x128xf32, #tpu.memory_space<hbm>> -> memref<400x128xf32, #tpu.memory_space<hbm>>
    %dma_start3A_60 = arith.constant 0 : i32
    %dma_start3A_61 = tpu.memref_slice %arg4[%add3A_57, %dma_start3A_60] : memref<102400x128xf32, #tpu.memory_space<hbm>> -> memref<400x128xf32, #tpu.memory_space<hbm>>
    tpu.enqueue_dma source(%arg8 : memref<400x128xf32, #tpu.memory_space<vmem>>) target(%dma_start3A_61 : memref<400x128xf32, #tpu.memory_space<hbm>>) target_semaphore(%arg14 : memref<!tpu.dma_semaphore, #tpu.memory_space<semaphore_mem>>)
    %dma_wait3A_62 = arith.constant 0 : i32
    %dma_wait3A_63 = arith.constant 0 : i32
    %dma_wait3A_64 = tpu.memref_slice %arg2[%dma_wait3A_62, %dma_wait3A_63] : memref<100000x128xf32, #tpu.memory_space<hbm>> -> memref<100000x128xf32, #tpu.memory_space<hbm>>
    tpu.wait_indirect_dma semaphore(%arg11 : memref<!tpu.dma_semaphore, #tpu.memory_space<semaphore_mem>>) src(%dma_wait3A_64 : memref<100000x128xf32, #tpu.memory_space<hbm>>) dst(%arg7 : memref<400x128xf32, #tpu.memory_space<vmem>>)
    %dma_wait3A_65 = arith.constant 0 : i32
    %dma_wait3A_66 = tpu.memref_slice %arg4[%add3A_57, %dma_wait3A_65] : memref<102400x128xf32, #tpu.memory_space<hbm>> -> memref<400x128xf32, #tpu.memory_space<hbm>>
    %dma_wait3A_67 = arith.constant 0 : i32
    %dma_wait3A_68 = tpu.memref_slice %arg4[%add3A_57, %dma_wait3A_67] : memref<102400x128xf32, #tpu.memory_space<hbm>> -> memref<400x128xf32, #tpu.memory_space<hbm>>
    tpu.wait_dma2 semaphore(%arg14 : memref<!tpu.dma_semaphore, #tpu.memory_space<semaphore_mem>>) src(%arg8 : memref<400x128xf32, #tpu.memory_space<vmem>>) dst(%dma_wait3A_68 : memref<400x128xf32, #tpu.memory_space<hbm>>)
    %add3A_69 = arith.constant 102400 : i32
    %add3A_70 = arith.addi %add3A_69, %mul3A_2 : i32
    %add3A_71 = arith.constant 1600 : i32
    %add3A_72 = arith.addi %add3A_70, %add3A_71 : i32
    %dma_start3A_73 = tpu.memref_slice %arg3[%add3A_72] : memref<204800xi32, #tpu.memory_space<hbm>> -> memref<400xi32, #tpu.memory_space<hbm>>
    %dma_start3A_74 = tpu.memref_slice %arg3[%add3A_72] : memref<204800xi32, #tpu.memory_space<hbm>> -> memref<400xi32, #tpu.memory_space<hbm>>
    tpu.enqueue_dma source(%dma_start3A_74 : memref<400xi32, #tpu.memory_space<hbm>>) target(%arg5 : memref<400xi32, #tpu.memory_space<vmem>>) target_semaphore(%arg9 : memref<!tpu.dma_semaphore, #tpu.memory_space<semaphore_mem>>)
    %dma_wait3A_75 = tpu.memref_slice %arg3[%add3A_48] : memref<204800xi32, #tpu.memory_space<hbm>> -> memref<400xi32, #tpu.memory_space<hbm>>
    %dma_wait3A_76 = tpu.memref_slice %arg3[%add3A_48] : memref<204800xi32, #tpu.memory_space<hbm>> -> memref<400xi32, #tpu.memory_space<hbm>>
    tpu.wait_dma2 semaphore(%arg10 : memref<!tpu.dma_semaphore, #tpu.memory_space<semaphore_mem>>) src(%dma_wait3A_76 : memref<400xi32, #tpu.memory_space<hbm>>) dst(%arg6 : memref<400xi32, #tpu.memory_space<vmem>>)
    %dma_start3A_77 = arith.constant 0 : i32
    %dma_start3A_78 = arith.constant 0 : i32
    %dma_start3A_79 = tpu.memref_slice %arg2[%dma_start3A_77, %dma_start3A_78] : memref<100000x128xf32, #tpu.memory_space<hbm>> -> memref<100000x128xf32, #tpu.memory_space<hbm>>
    tpu.enqueue_indirect_dma source(%dma_start3A_79 : memref<100000x128xf32, #tpu.memory_space<hbm>>) target(%arg8 : memref<400x128xf32, #tpu.memory_space<vmem>>) offsets(%arg6 : memref<400xi32, #tpu.memory_space<vmem>>) semaphore(%arg12 : memref<!tpu.dma_semaphore, #tpu.memory_space<semaphore_mem>>)
    %add3A_80 = arith.constant 800 : i32
    %add3A_81 = arith.addi %mul3A_2, %add3A_80 : i32
    %dma_start3A_82 = arith.constant 0 : i32
    %dma_start3A_83 = tpu.memref_slice %arg4[%add3A_81, %dma_start3A_82] : memref<102400x128xf32, #tpu.memory_space<hbm>> -> memref<400x128xf32, #tpu.memory_space<hbm>>
    %dma_start3A_84 = arith.constant 0 : i32
    %dma_start3A_85 = tpu.memref_slice %arg4[%add3A_81, %dma_start3A_84] : memref<102400x128xf32, #tpu.memory_space<hbm>> -> memref<400x128xf32, #tpu.memory_space<hbm>>
    tpu.enqueue_dma source(%arg7 : memref<400x128xf32, #tpu.memory_space<vmem>>) target(%dma_start3A_85 : memref<400x128xf32, #tpu.memory_space<hbm>>) target_semaphore(%arg13 : memref<!tpu.dma_semaphore, #tpu.memory_space<semaphore_mem>>)
    %dma_wait3A_86 = arith.constant 0 : i32
    %dma_wait3A_87 = arith.constant 0 : i32
    %dma_wait3A_88 = tpu.memref_slice %arg2[%dma_wait3A_86, %dma_wait3A_87] : memref<100000x128xf32, #tpu.memory_space<hbm>> -> memref<100000x128xf32, #tpu.memory_space<hbm>>
    tpu.wait_indirect_dma semaphore(%arg12 : memref<!tpu.dma_semaphore, #tpu.memory_space<semaphore_mem>>) src(%dma_wait3A_88 : memref<100000x128xf32, #tpu.memory_space<hbm>>) dst(%arg8 : memref<400x128xf32, #tpu.memory_space<vmem>>)
    %dma_wait3A_89 = arith.constant 0 : i32
    %dma_wait3A_90 = tpu.memref_slice %arg4[%add3A_81, %dma_wait3A_89] : memref<102400x128xf32, #tpu.memory_space<hbm>> -> memref<400x128xf32, #tpu.memory_space<hbm>>
    %dma_wait3A_91 = arith.constant 0 : i32
    %dma_wait3A_92 = tpu.memref_slice %arg4[%add3A_81, %dma_wait3A_91] : memref<102400x128xf32, #tpu.memory_space<hbm>> -> memref<400x128xf32, #tpu.memory_space<hbm>>
    tpu.wait_dma2 semaphore(%arg13 : memref<!tpu.dma_semaphore, #tpu.memory_space<semaphore_mem>>) src(%arg7 : memref<400x128xf32, #tpu.memory_space<vmem>>) dst(%dma_wait3A_92 : memref<400x128xf32, #tpu.memory_space<hbm>>)
    %add3A_93 = arith.constant 102400 : i32
    %add3A_94 = arith.addi %add3A_93, %mul3A_2 : i32
    %add3A_95 = arith.constant 2000 : i32
    %add3A_96 = arith.addi %add3A_94, %add3A_95 : i32
    %dma_start3A_97 = tpu.memref_slice %arg3[%add3A_96] : memref<204800xi32, #tpu.memory_space<hbm>> -> memref<400xi32, #tpu.memory_space<hbm>>
    %dma_start3A_98 = tpu.memref_slice %arg3[%add3A_96] : memref<204800xi32, #tpu.memory_space<hbm>> -> memref<400xi32, #tpu.memory_space<hbm>>
    tpu.enqueue_dma source(%dma_start3A_98 : memref<400xi32, #tpu.memory_space<hbm>>) target(%arg6 : memref<400xi32, #tpu.memory_space<vmem>>) target_semaphore(%arg10 : memref<!tpu.dma_semaphore, #tpu.memory_space<semaphore_mem>>)
    %dma_wait3A_99 = tpu.memref_slice %arg3[%add3A_72] : memref<204800xi32, #tpu.memory_space<hbm>> -> memref<400xi32, #tpu.memory_space<hbm>>
    %dma_wait3A_100 = tpu.memref_slice %arg3[%add3A_72] : memref<204800xi32, #tpu.memory_space<hbm>> -> memref<400xi32, #tpu.memory_space<hbm>>
    tpu.wait_dma2 semaphore(%arg9 : memref<!tpu.dma_semaphore, #tpu.memory_space<semaphore_mem>>) src(%dma_wait3A_100 : memref<400xi32, #tpu.memory_space<hbm>>) dst(%arg5 : memref<400xi32, #tpu.memory_space<vmem>>)
    %dma_start3A_101 = arith.constant 0 : i32
    %dma_start3A_102 = arith.constant 0 : i32
    %dma_start3A_103 = tpu.memref_slice %arg2[%dma_start3A_101, %dma_start3A_102] : memref<100000x128xf32, #tpu.memory_space<hbm>> -> memref<100000x128xf32, #tpu.memory_space<hbm>>
    tpu.enqueue_indirect_dma source(%dma_start3A_103 : memref<100000x128xf32, #tpu.memory_space<hbm>>) target(%arg7 : memref<400x128xf32, #tpu.memory_space<vmem>>) offsets(%arg5 : memref<400xi32, #tpu.memory_space<vmem>>) semaphore(%arg11 : memref<!tpu.dma_semaphore, #tpu.memory_space<semaphore_mem>>)
    %add3A_104 = arith.constant 1200 : i32
    %add3A_105 = arith.addi %mul3A_2, %add3A_104 : i32
    %dma_start3A_106 = arith.constant 0 : i32
    %dma_start3A_107 = tpu.memref_slice %arg4[%add3A_105, %dma_start3A_106] : memref<102400x128xf32, #tpu.memory_space<hbm>> -> memref<400x128xf32, #tpu.memory_space<hbm>>
    %dma_start3A_108 = arith.constant 0 : i32
    %dma_start3A_109 = tpu.memref_slice %arg4[%add3A_105, %dma_start3A_108] : memref<102400x128xf32, #tpu.memory_space<hbm>> -> memref<400x128xf32, #tpu.memory_space<hbm>>
    tpu.enqueue_dma source(%arg8 : memref<400x128xf32, #tpu.memory_space<vmem>>) target(%dma_start3A_109 : memref<400x128xf32, #tpu.memory_space<hbm>>) target_semaphore(%arg14 : memref<!tpu.dma_semaphore, #tpu.memory_space<semaphore_mem>>)
    %dma_wait3A_110 = arith.constant 0 : i32
    %dma_wait3A_111 = arith.constant 0 : i32
    %dma_wait3A_112 = tpu.memref_slice %arg2[%dma_wait3A_110, %dma_wait3A_111] : memref<100000x128xf32, #tpu.memory_space<hbm>> -> memref<100000x128xf32, #tpu.memory_space<hbm>>
    tpu.wait_indirect_dma semaphore(%arg11 : memref<!tpu.dma_semaphore, #tpu.memory_space<semaphore_mem>>) src(%dma_wait3A_112 : memref<100000x128xf32, #tpu.memory_space<hbm>>) dst(%arg7 : memref<400x128xf32, #tpu.memory_space<vmem>>)
    %dma_wait3A_113 = arith.constant 0 : i32
    %dma_wait3A_114 = tpu.memref_slice %arg4[%add3A_105, %dma_wait3A_113] : memref<102400x128xf32, #tpu.memory_space<hbm>> -> memref<400x128xf32, #tpu.memory_space<hbm>>
    %dma_wait3A_115 = arith.constant 0 : i32
    %dma_wait3A_116 = tpu.memref_slice %arg4[%add3A_105, %dma_wait3A_115] : memref<102400x128xf32, #tpu.memory_space<hbm>> -> memref<400x128xf32, #tpu.memory_space<hbm>>
    tpu.wait_dma2 semaphore(%arg14 : memref<!tpu.dma_semaphore, #tpu.memory_space<semaphore_mem>>) src(%arg8 : memref<400x128xf32, #tpu.memory_space<vmem>>) dst(%dma_wait3A_116 : memref<400x128xf32, #tpu.memory_space<hbm>>)
    %add3A_117 = arith.constant 102400 : i32
    %add3A_118 = arith.addi %add3A_117, %mul3A_2 : i32
    %add3A_119 = arith.constant 2400 : i32
    %add3A_120 = arith.addi %add3A_118, %add3A_119 : i32
    %dma_start3A_121 = tpu.memref_slice %arg3[%add3A_120] : memref<204800xi32, #tpu.memory_space<hbm>> -> memref<400xi32, #tpu.memory_space<hbm>>
    %dma_start3A_122 = tpu.memref_slice %arg3[%add3A_120] : memref<204800xi32, #tpu.memory_space<hbm>> -> memref<400xi32, #tpu.memory_space<hbm>>
    tpu.enqueue_dma source(%dma_start3A_122 : memref<400xi32, #tpu.memory_space<hbm>>) target(%arg5 : memref<400xi32, #tpu.memory_space<vmem>>) target_semaphore(%arg9 : memref<!tpu.dma_semaphore, #tpu.memory_space<semaphore_mem>>)
    %dma_wait3A_123 = tpu.memref_slice %arg3[%add3A_96] : memref<204800xi32, #tpu.memory_space<hbm>> -> memref<400xi32, #tpu.memory_space<hbm>>
    %dma_wait3A_124 = tpu.memref_slice %arg3[%add3A_96] : memref<204800xi32, #tpu.memory_space<hbm>> -> memref<400xi32, #tpu.memory_space<hbm>>
    tpu.wait_dma2 semaphore(%arg10 : memref<!tpu.dma_semaphore, #tpu.memory_space<semaphore_mem>>) src(%dma_wait3A_124 : memref<400xi32, #tpu.memory_space<hbm>>) dst(%arg6 : memref<400xi32, #tpu.memory_space<vmem>>)
    %dma_start3A_125 = arith.constant 0 : i32
    %dma_start3A_126 = arith.constant 0 : i32
    %dma_start3A_127 = tpu.memref_slice %arg2[%dma_start3A_125, %dma_start3A_126] : memref<100000x128xf32, #tpu.memory_space<hbm>> -> memref<100000x128xf32, #tpu.memory_space<hbm>>
    tpu.enqueue_indirect_dma source(%dma_start3A_127 : memref<100000x128xf32, #tpu.memory_space<hbm>>) target(%arg8 : memref<400x128xf32, #tpu.memory_space<vmem>>) offsets(%arg6 : memref<400xi32, #tpu.memory_space<vmem>>) semaphore(%arg12 : memref<!tpu.dma_semaphore, #tpu.memory_space<semaphore_mem>>)
    %add3A_128 = arith.constant 1600 : i32
    %add3A_129 = arith.addi %mul3A_2, %add3A_128 : i32
    %dma_start3A_130 = arith.constant 0 : i32
    %dma_start3A_131 = tpu.memref_slice %arg4[%add3A_129, %dma_start3A_130] : memref<102400x128xf32, #tpu.memory_space<hbm>> -> memref<400x128xf32, #tpu.memory_space<hbm>>
    %dma_start3A_132 = arith.constant 0 : i32
    %dma_start3A_133 = tpu.memref_slice %arg4[%add3A_129, %dma_start3A_132] : memref<102400x128xf32, #tpu.memory_space<hbm>> -> memref<400x128xf32, #tpu.memory_space<hbm>>
    tpu.enqueue_dma source(%arg7 : memref<400x128xf32, #tpu.memory_space<vmem>>) target(%dma_start3A_133 : memref<400x128xf32, #tpu.memory_space<hbm>>) target_semaphore(%arg13 : memref<!tpu.dma_semaphore, #tpu.memory_space<semaphore_mem>>)
    %dma_wait3A_134 = arith.constant 0 : i32
    %dma_wait3A_135 = arith.constant 0 : i32
    %dma_wait3A_136 = tpu.memref_slice %arg2[%dma_wait3A_134, %dma_wait3A_135] : memref<100000x128xf32, #tpu.memory_space<hbm>> -> memref<100000x128xf32, #tpu.memory_space<hbm>>
    tpu.wait_indirect_dma semaphore(%arg12 : memref<!tpu.dma_semaphore, #tpu.memory_space<semaphore_mem>>) src(%dma_wait3A_136 : memref<100000x128xf32, #tpu.memory_space<hbm>>) dst(%arg8 : memref<400x128xf32, #tpu.memory_space<vmem>>)
    %dma_wait3A_137 = arith.constant 0 : i32
    %dma_wait3A_138 = tpu.memref_slice %arg4[%add3A_129, %dma_wait3A_137] : memref<102400x128xf32, #tpu.memory_space<hbm>> -> memref<400x128xf32, #tpu.memory_space<hbm>>
    %dma_wait3A_139 = arith.constant 0 : i32
    %dma_wait3A_140 = tpu.memref_slice %arg4[%add3A_129, %dma_wait3A_139] : memref<102400x128xf32, #tpu.memory_space<hbm>> -> memref<400x128xf32, #tpu.memory_space<hbm>>
    tpu.wait_dma2 semaphore(%arg13 : memref<!tpu.dma_semaphore, #tpu.memory_space<semaphore_mem>>) src(%arg7 : memref<400x128xf32, #tpu.memory_space<vmem>>) dst(%dma_wait3A_140 : memref<400x128xf32, #tpu.memory_space<hbm>>)
    %add3A_141 = arith.constant 102400 : i32
    %add3A_142 = arith.addi %add3A_141, %mul3A_2 : i32
    %add3A_143 = arith.constant 2800 : i32
    %add3A_144 = arith.addi %add3A_142, %add3A_143 : i32
    %dma_start3A_145 = tpu.memref_slice %arg3[%add3A_144] : memref<204800xi32, #tpu.memory_space<hbm>> -> memref<400xi32, #tpu.memory_space<hbm>>
    %dma_start3A_146 = tpu.memref_slice %arg3[%add3A_144] : memref<204800xi32, #tpu.memory_space<hbm>> -> memref<400xi32, #tpu.memory_space<hbm>>
    tpu.enqueue_dma source(%dma_start3A_146 : memref<400xi32, #tpu.memory_space<hbm>>) target(%arg6 : memref<400xi32, #tpu.memory_space<vmem>>) target_semaphore(%arg10 : memref<!tpu.dma_semaphore, #tpu.memory_space<semaphore_mem>>)
    %dma_wait3A_147 = tpu.memref_slice %arg3[%add3A_120] : memref<204800xi32, #tpu.memory_space<hbm>> -> memref<400xi32, #tpu.memory_space<hbm>>
    %dma_wait3A_148 = tpu.memref_slice %arg3[%add3A_120] : memref<204800xi32, #tpu.memory_space<hbm>> -> memref<400xi32, #tpu.memory_space<hbm>>
    tpu.wait_dma2 semaphore(%arg9 : memref<!tpu.dma_semaphore, #tpu.memory_space<semaphore_mem>>) src(%dma_wait3A_148 : memref<400xi32, #tpu.memory_space<hbm>>) dst(%arg5 : memref<400xi32, #tpu.memory_space<vmem>>)
    %dma_start3A_149 = arith.constant 0 : i32
    %dma_start3A_150 = arith.constant 0 : i32
    %dma_start3A_151 = tpu.memref_slice %arg2[%dma_start3A_149, %dma_start3A_150] : memref<100000x128xf32, #tpu.memory_space<hbm>> -> memref<100000x128xf32, #tpu.memory_space<hbm>>
    tpu.enqueue_indirect_dma source(%dma_start3A_151 : memref<100000x128xf32, #tpu.memory_space<hbm>>) target(%arg7 : memref<400x128xf32, #tpu.memory_space<vmem>>) offsets(%arg5 : memref<400xi32, #tpu.memory_space<vmem>>) semaphore(%arg11 : memref<!tpu.dma_semaphore, #tpu.memory_space<semaphore_mem>>)
    %add3A_152 = arith.constant 2000 : i32
    %add3A_153 = arith.addi %mul3A_2, %add3A_152 : i32
    %dma_start3A_154 = arith.constant 0 : i32
    %dma_start3A_155 = tpu.memref_slice %arg4[%add3A_153, %dma_start3A_154] : memref<102400x128xf32, #tpu.memory_space<hbm>> -> memref<400x128xf32, #tpu.memory_space<hbm>>
    %dma_start3A_156 = arith.constant 0 : i32
    %dma_start3A_157 = tpu.memref_slice %arg4[%add3A_153, %dma_start3A_156] : memref<102400x128xf32, #tpu.memory_space<hbm>> -> memref<400x128xf32, #tpu.memory_space<hbm>>
    tpu.enqueue_dma source(%arg8 : memref<400x128xf32, #tpu.memory_space<vmem>>) target(%dma_start3A_157 : memref<400x128xf32, #tpu.memory_space<hbm>>) target_semaphore(%arg14 : memref<!tpu.dma_semaphore, #tpu.memory_space<semaphore_mem>>)
    %dma_wait3A_158 = arith.constant 0 : i32
    %dma_wait3A_159 = arith.constant 0 : i32
    %dma_wait3A_160 = tpu.memref_slice %arg2[%dma_wait3A_158, %dma_wait3A_159] : memref<100000x128xf32, #tpu.memory_space<hbm>> -> memref<100000x128xf32, #tpu.memory_space<hbm>>
    tpu.wait_indirect_dma semaphore(%arg11 : memref<!tpu.dma_semaphore, #tpu.memory_space<semaphore_mem>>) src(%dma_wait3A_160 : memref<100000x128xf32, #tpu.memory_space<hbm>>) dst(%arg7 : memref<400x128xf32, #tpu.memory_space<vmem>>)
    %dma_wait3A_161 = arith.constant 0 : i32
    %dma_wait3A_162 = tpu.memref_slice %arg4[%add3A_153, %dma_wait3A_161] : memref<102400x128xf32, #tpu.memory_space<hbm>> -> memref<400x128xf32, #tpu.memory_space<hbm>>
    %dma_wait3A_163 = arith.constant 0 : i32
    %dma_wait3A_164 = tpu.memref_slice %arg4[%add3A_153, %dma_wait3A_163] : memref<102400x128xf32, #tpu.memory_space<hbm>> -> memref<400x128xf32, #tpu.memory_space<hbm>>
    tpu.wait_dma2 semaphore(%arg14 : memref<!tpu.dma_semaphore, #tpu.memory_space<semaphore_mem>>) src(%arg8 : memref<400x128xf32, #tpu.memory_space<vmem>>) dst(%dma_wait3A_164 : memref<400x128xf32, #tpu.memory_space<hbm>>)
    %dma_wait3A_165 = tpu.memref_slice %arg3[%add3A_144] : memref<204800xi32, #tpu.memory_space<hbm>> -> memref<400xi32, #tpu.memory_space<hbm>>
    %dma_wait3A_166 = tpu.memref_slice %arg3[%add3A_144] : memref<204800xi32, #tpu.memory_space<hbm>> -> memref<400xi32, #tpu.memory_space<hbm>>
    tpu.wait_dma2 semaphore(%arg10 : memref<!tpu.dma_semaphore, #tpu.memory_space<semaphore_mem>>) src(%dma_wait3A_166 : memref<400xi32, #tpu.memory_space<hbm>>) dst(%arg6 : memref<400xi32, #tpu.memory_space<vmem>>)
    %dma_start3A_167 = arith.constant 0 : i32
    %dma_start3A_168 = arith.constant 0 : i32
    %dma_start3A_169 = tpu.memref_slice %arg2[%dma_start3A_167, %dma_start3A_168] : memref<100000x128xf32, #tpu.memory_space<hbm>> -> memref<100000x128xf32, #tpu.memory_space<hbm>>
    tpu.enqueue_indirect_dma source(%dma_start3A_169 : memref<100000x128xf32, #tpu.memory_space<hbm>>) target(%arg8 : memref<400x128xf32, #tpu.memory_space<vmem>>) offsets(%arg6 : memref<400xi32, #tpu.memory_space<vmem>>) semaphore(%arg12 : memref<!tpu.dma_semaphore, #tpu.memory_space<semaphore_mem>>)
    %add3A_170 = arith.constant 2400 : i32
    %add3A_171 = arith.addi %mul3A_2, %add3A_170 : i32
    %dma_start3A_172 = arith.constant 0 : i32
    %dma_start3A_173 = tpu.memref_slice %arg4[%add3A_171, %dma_start3A_172] : memref<102400x128xf32, #tpu.memory_space<hbm>> -> memref<400x128xf32, #tpu.memory_space<hbm>>
    %dma_start3A_174 = arith.constant 0 : i32
    %dma_start3A_175 = tpu.memref_slice %arg4[%add3A_171, %dma_start3A_174] : memref<102400x128xf32, #tpu.memory_space<hbm>> -> memref<400x128xf32, #tpu.memory_space<hbm>>
    tpu.enqueue_dma source(%arg7 : memref<400x128xf32, #tpu.memory_space<vmem>>) target(%dma_start3A_175 : memref<400x128xf32, #tpu.memory_space<hbm>>) target_semaphore(%arg13 : memref<!tpu.dma_semaphore, #tpu.memory_space<semaphore_mem>>)
    %dma_wait3A_176 = arith.constant 0 : i32
    %dma_wait3A_177 = arith.constant 0 : i32
    %dma_wait3A_178 = tpu.memref_slice %arg2[%dma_wait3A_176, %dma_wait3A_177] : memref<100000x128xf32, #tpu.memory_space<hbm>> -> memref<100000x128xf32, #tpu.memory_space<hbm>>
    tpu.wait_indirect_dma semaphore(%arg12 : memref<!tpu.dma_semaphore, #tpu.memory_space<semaphore_mem>>) src(%dma_wait3A_178 : memref<100000x128xf32, #tpu.memory_space<hbm>>) dst(%arg8 : memref<400x128xf32, #tpu.memory_space<vmem>>)
    %dma_wait3A_179 = arith.constant 0 : i32
    %dma_wait3A_180 = tpu.memref_slice %arg4[%add3A_171, %dma_wait3A_179] : memref<102400x128xf32, #tpu.memory_space<hbm>> -> memref<400x128xf32, #tpu.memory_space<hbm>>
    %dma_wait3A_181 = arith.constant 0 : i32
    %dma_wait3A_182 = tpu.memref_slice %arg4[%add3A_171, %dma_wait3A_181] : memref<102400x128xf32, #tpu.memory_space<hbm>> -> memref<400x128xf32, #tpu.memory_space<hbm>>
    tpu.wait_dma2 semaphore(%arg13 : memref<!tpu.dma_semaphore, #tpu.memory_space<semaphore_mem>>) src(%arg7 : memref<400x128xf32, #tpu.memory_space<vmem>>) dst(%dma_wait3A_182 : memref<400x128xf32, #tpu.memory_space<hbm>>)
    %add3A_183 = arith.constant 2800 : i32
    %add3A_184 = arith.addi %mul3A_2, %add3A_183 : i32
    %dma_start3A_185 = arith.constant 0 : i32
    %dma_start3A_186 = tpu.memref_slice %arg4[%add3A_184, %dma_start3A_185] : memref<102400x128xf32, #tpu.memory_space<hbm>> -> memref<400x128xf32, #tpu.memory_space<hbm>>
    %dma_start3A_187 = arith.constant 0 : i32
    %dma_start3A_188 = tpu.memref_slice %arg4[%add3A_184, %dma_start3A_187] : memref<102400x128xf32, #tpu.memory_space<hbm>> -> memref<400x128xf32, #tpu.memory_space<hbm>>
    tpu.enqueue_dma source(%arg8 : memref<400x128xf32, #tpu.memory_space<vmem>>) target(%dma_start3A_188 : memref<400x128xf32, #tpu.memory_space<hbm>>) target_semaphore(%arg14 : memref<!tpu.dma_semaphore, #tpu.memory_space<semaphore_mem>>)
    %dma_wait3A_189 = arith.constant 0 : i32
    %dma_wait3A_190 = tpu.memref_slice %arg4[%add3A_184, %dma_wait3A_189] : memref<102400x128xf32, #tpu.memory_space<hbm>> -> memref<400x128xf32, #tpu.memory_space<hbm>>
    %dma_wait3A_191 = arith.constant 0 : i32
    %dma_wait3A_192 = tpu.memref_slice %arg4[%add3A_184, %dma_wait3A_191] : memref<102400x128xf32, #tpu.memory_space<hbm>> -> memref<400x128xf32, #tpu.memory_space<hbm>>
    tpu.wait_dma2 semaphore(%arg14 : memref<!tpu.dma_semaphore, #tpu.memory_space<semaphore_mem>>) src(%arg8 : memref<400x128xf32, #tpu.memory_space<vmem>>) dst(%dma_wait3A_192 : memref<400x128xf32, #tpu.memory_space<hbm>>)
    return
  }
}

#map = affine_map<(d0, d1) -> (0, 0)>
#map1 = affine_map<(d0, d1) -> (0)>
module attributes {stable_mosaic.version = 14 : i64} {
  func.func @gather(%arg0: i32, %arg1: i32, %arg2: memref<100000x128xf32, #tpu.memory_space<hbm>>, %arg3: memref<204800xi32, #tpu.memory_space<hbm>>, %arg4: memref<102400x128xf32, #tpu.memory_space<hbm>>, %arg5: memref<400xi32, #tpu.memory_space<vmem>>, %arg6: memref<400xi32, #tpu.memory_space<vmem>>, %arg7: memref<400x128xf32, #tpu.memory_space<vmem>>, %arg8: memref<400x128xf32, #tpu.memory_space<vmem>>, %arg9: memref<!tpu.dma_semaphore, #tpu.memory_space<semaphore_mem>>, %arg10: memref<!tpu.dma_semaphore, #tpu.memory_space<semaphore_mem>>, %arg11: memref<!tpu.dma_semaphore, #tpu.memory_space<semaphore_mem>>, %arg12: memref<!tpu.dma_semaphore, #tpu.memory_space<semaphore_mem>>, %arg13: memref<!tpu.dma_semaphore, #tpu.memory_space<semaphore_mem>>, %arg14: memref<!tpu.dma_semaphore, #tpu.memory_space<semaphore_mem>>) attributes {dimension_semantics = [#tpu.dimension_semantics<core_parallel>, #tpu.dimension_semantics<subcore_parallel>], iteration_bounds = array<i64: 2, 16>, scalar_prefetch = 0 : i64, scratch_operands = 10 : i64, tpu.core_type = #tpu.core_type<sc_vector_subcore>, window_params = [{transform_indices = #map}, {transform_indices = #map1}, {transform_indices = #map}]} {
    %mul3A = arith.constant 2 : i32
    %mul3A_0 = arith.muli %arg1, %mul3A : i32
    %add3A = arith.addi %mul3A_0, %arg0 : i32
    %mul3A_1 = arith.constant 3200 : i32
    %mul3A_2 = arith.muli %add3A, %mul3A_1 : i32
    %add3A_3 = arith.constant 0 : i32
    %add3A_4 = arith.addi %add3A_3, %mul3A_2 : i32
    %add3A_5 = arith.constant 0 : i32
    %add3A_6 = arith.addi %add3A_4, %add3A_5 : i32
    %dma_start3A = tpu.memref_slice %arg3[%add3A_6] : memref<204800xi32, #tpu.memory_space<hbm>> -> memref<400xi32, #tpu.memory_space<hbm>>
    %dma_start3A_7 = tpu.memref_slice %arg3[%add3A_6] : memref<204800xi32, #tpu.memory_space<hbm>> -> memref<400xi32, #tpu.memory_space<hbm>>
    tpu.enqueue_dma source(%dma_start3A_7 : memref<400xi32, #tpu.memory_space<hbm>>) target(%arg5 : memref<400xi32, #tpu.memory_space<vmem>>) target_semaphore(%arg9 : memref<!tpu.dma_semaphore, #tpu.memory_space<semaphore_mem>>)
    %dma_wait3A = tpu.memref_slice %arg3[%add3A_6] : memref<204800xi32, #tpu.memory_space<hbm>> -> memref<400xi32, #tpu.memory_space<hbm>>
    %dma_wait3A_8 = tpu.memref_slice %arg3[%add3A_6] : memref<204800xi32, #tpu.memory_space<hbm>> -> memref<400xi32, #tpu.memory_space<hbm>>
    tpu.wait_dma2 semaphore(%arg9 : memref<!tpu.dma_semaphore, #tpu.memory_space<semaphore_mem>>) src(%dma_wait3A_8 : memref<400xi32, #tpu.memory_space<hbm>>) dst(%arg5 : memref<400xi32, #tpu.memory_space<vmem>>)
    %dma_start3A_9 = arith.constant 0 : i32
    %dma_start3A_10 = arith.constant 0 : i32
    %dma_start3A_11 = tpu.memref_slice %arg2[%dma_start3A_9, %dma_start3A_10] : memref<100000x128xf32, #tpu.memory_space<hbm>> -> memref<100000x128xf32, #tpu.memory_space<hbm>>
    tpu.enqueue_indirect_dma source(%dma_start3A_11 : memref<100000x128xf32, #tpu.memory_space<hbm>>) target(%arg7 : memref<400x128xf32, #tpu.memory_space<vmem>>) offsets(%arg5 : memref<400xi32, #tpu.memory_space<vmem>>) semaphore(%arg11 : memref<!tpu.dma_semaphore, #tpu.memory_space<semaphore_mem>>)
    %add3A_12 = arith.constant 0 : i32
    %add3A_13 = arith.addi %add3A_12, %mul3A_2 : i32
    %add3A_14 = arith.constant 400 : i32
    %add3A_15 = arith.addi %add3A_13, %add3A_14 : i32
    %dma_start3A_16 = tpu.memref_slice %arg3[%add3A_15] : memref<204800xi32, #tpu.memory_space<hbm>> -> memref<400xi32, #tpu.memory_space<hbm>>
    %dma_start3A_17 = tpu.memref_slice %arg3[%add3A_15] : memref<204800xi32, #tpu.memory_space<hbm>> -> memref<400xi32, #tpu.memory_space<hbm>>
    tpu.enqueue_dma source(%dma_start3A_17 : memref<400xi32, #tpu.memory_space<hbm>>) target(%arg6 : memref<400xi32, #tpu.memory_space<vmem>>) target_semaphore(%arg10 : memref<!tpu.dma_semaphore, #tpu.memory_space<semaphore_mem>>)
    %dma_wait3A_18 = arith.constant 0 : i32
    %dma_wait3A_19 = arith.constant 0 : i32
    %dma_wait3A_20 = tpu.memref_slice %arg2[%dma_wait3A_18, %dma_wait3A_19] : memref<100000x128xf32, #tpu.memory_space<hbm>> -> memref<100000x128xf32, #tpu.memory_space<hbm>>
    tpu.wait_indirect_dma semaphore(%arg11 : memref<!tpu.dma_semaphore, #tpu.memory_space<semaphore_mem>>) src(%dma_wait3A_20 : memref<100000x128xf32, #tpu.memory_space<hbm>>) dst(%arg7 : memref<400x128xf32, #tpu.memory_space<vmem>>)
    %add3A_21 = arith.constant 0 : i32
    %add3A_22 = arith.addi %add3A_21, %mul3A_2 : i32
    %add3A_23 = arith.constant 800 : i32
    %add3A_24 = arith.addi %add3A_22, %add3A_23 : i32
    %dma_start3A_25 = tpu.memref_slice %arg3[%add3A_24] : memref<204800xi32, #tpu.memory_space<hbm>> -> memref<400xi32, #tpu.memory_space<hbm>>
    %dma_start3A_26 = tpu.memref_slice %arg3[%add3A_24] : memref<204800xi32, #tpu.memory_space<hbm>> -> memref<400xi32, #tpu.memory_space<hbm>>
    tpu.enqueue_dma source(%dma_start3A_26 : memref<400xi32, #tpu.memory_space<hbm>>) target(%arg5 : memref<400xi32, #tpu.memory_space<vmem>>) target_semaphore(%arg9 : memref<!tpu.dma_semaphore, #tpu.memory_space<semaphore_mem>>)
    %dma_wait3A_27 = tpu.memref_slice %arg3[%add3A_15] : memref<204800xi32, #tpu.memory_space<hbm>> -> memref<400xi32, #tpu.memory_space<hbm>>
    %dma_wait3A_28 = tpu.memref_slice %arg3[%add3A_15] : memref<204800xi32, #tpu.memory_space<hbm>> -> memref<400xi32, #tpu.memory_space<hbm>>
    tpu.wait_dma2 semaphore(%arg10 : memref<!tpu.dma_semaphore, #tpu.memory_space<semaphore_mem>>) src(%dma_wait3A_28 : memref<400xi32, #tpu.memory_space<hbm>>) dst(%arg6 : memref<400xi32, #tpu.memory_space<vmem>>)
    %dma_start3A_29 = arith.constant 0 : i32
    %dma_start3A_30 = arith.constant 0 : i32
    %dma_start3A_31 = tpu.memref_slice %arg2[%dma_start3A_29, %dma_start3A_30] : memref<100000x128xf32, #tpu.memory_space<hbm>> -> memref<100000x128xf32, #tpu.memory_space<hbm>>
    tpu.enqueue_indirect_dma source(%dma_start3A_31 : memref<100000x128xf32, #tpu.memory_space<hbm>>) target(%arg8 : memref<400x128xf32, #tpu.memory_space<vmem>>) offsets(%arg6 : memref<400xi32, #tpu.memory_space<vmem>>) semaphore(%arg12 : memref<!tpu.dma_semaphore, #tpu.memory_space<semaphore_mem>>)
    %add3A_32 = arith.constant 0 : i32
    %add3A_33 = arith.addi %mul3A_2, %add3A_32 : i32
    %dma_start3A_34 = arith.constant 0 : i32
    %dma_start3A_35 = tpu.memref_slice %arg4[%add3A_33, %dma_start3A_34] : memref<102400x128xf32, #tpu.memory_space<hbm>> -> memref<400x128xf32, #tpu.memory_space<hbm>>
    %dma_start3A_36 = arith.constant 0 : i32
    %dma_start3A_37 = tpu.memref_slice %arg4[%add3A_33, %dma_start3A_36] : memref<102400x128xf32, #tpu.memory_space<hbm>> -> memref<400x128xf32, #tpu.memory_space<hbm>>
    tpu.enqueue_dma source(%arg7 : memref<400x128xf32, #tpu.memory_space<vmem>>) target(%dma_start3A_37 : memref<400x128xf32, #tpu.memory_space<hbm>>) target_semaphore(%arg13 : memref<!tpu.dma_semaphore, #tpu.memory_space<semaphore_mem>>)
    %dma_wait3A_38 = arith.constant 0 : i32
    %dma_wait3A_39 = arith.constant 0 : i32
    %dma_wait3A_40 = tpu.memref_slice %arg2[%dma_wait3A_38, %dma_wait3A_39] : memref<100000x128xf32, #tpu.memory_space<hbm>> -> memref<100000x128xf32, #tpu.memory_space<hbm>>
    tpu.wait_indirect_dma semaphore(%arg12 : memref<!tpu.dma_semaphore, #tpu.memory_space<semaphore_mem>>) src(%dma_wait3A_40 : memref<100000x128xf32, #tpu.memory_space<hbm>>) dst(%arg8 : memref<400x128xf32, #tpu.memory_space<vmem>>)
    %dma_wait3A_41 = arith.constant 0 : i32
    %dma_wait3A_42 = tpu.memref_slice %arg4[%add3A_33, %dma_wait3A_41] : memref<102400x128xf32, #tpu.memory_space<hbm>> -> memref<400x128xf32, #tpu.memory_space<hbm>>
    %dma_wait3A_43 = arith.constant 0 : i32
    %dma_wait3A_44 = tpu.memref_slice %arg4[%add3A_33, %dma_wait3A_43] : memref<102400x128xf32, #tpu.memory_space<hbm>> -> memref<400x128xf32, #tpu.memory_space<hbm>>
    tpu.wait_dma2 semaphore(%arg13 : memref<!tpu.dma_semaphore, #tpu.memory_space<semaphore_mem>>) src(%arg7 : memref<400x128xf32, #tpu.memory_space<vmem>>) dst(%dma_wait3A_44 : memref<400x128xf32, #tpu.memory_space<hbm>>)
    %add3A_45 = arith.constant 0 : i32
    %add3A_46 = arith.addi %add3A_45, %mul3A_2 : i32
    %add3A_47 = arith.constant 1200 : i32
    %add3A_48 = arith.addi %add3A_46, %add3A_47 : i32
    %dma_start3A_49 = tpu.memref_slice %arg3[%add3A_48] : memref<204800xi32, #tpu.memory_space<hbm>> -> memref<400xi32, #tpu.memory_space<hbm>>
    %dma_start3A_50 = tpu.memref_slice %arg3[%add3A_48] : memref<204800xi32, #tpu.memory_space<hbm>> -> memref<400xi32, #tpu.memory_space<hbm>>
    tpu.enqueue_dma source(%dma_start3A_50 : memref<400xi32, #tpu.memory_space<hbm>>) target(%arg6 : memref<400xi32, #tpu.memory_space<vmem>>) target_semaphore(%arg10 : memref<!tpu.dma_semaphore, #tpu.memory_space<semaphore_mem>>)
    %dma_wait3A_51 = tpu.memref_slice %arg3[%add3A_24] : memref<204800xi32, #tpu.memory_space<hbm>> -> memref<400xi32, #tpu.memory_space<hbm>>
    %dma_wait3A_52 = tpu.memref_slice %arg3[%add3A_24] : memref<204800xi32, #tpu.memory_space<hbm>> -> memref<400xi32, #tpu.memory_space<hbm>>
    tpu.wait_dma2 semaphore(%arg9 : memref<!tpu.dma_semaphore, #tpu.memory_space<semaphore_mem>>) src(%dma_wait3A_52 : memref<400xi32, #tpu.memory_space<hbm>>) dst(%arg5 : memref<400xi32, #tpu.memory_space<vmem>>)
    %dma_start3A_53 = arith.constant 0 : i32
    %dma_start3A_54 = arith.constant 0 : i32
    %dma_start3A_55 = tpu.memref_slice %arg2[%dma_start3A_53, %dma_start3A_54] : memref<100000x128xf32, #tpu.memory_space<hbm>> -> memref<100000x128xf32, #tpu.memory_space<hbm>>
    tpu.enqueue_indirect_dma source(%dma_start3A_55 : memref<100000x128xf32, #tpu.memory_space<hbm>>) target(%arg7 : memref<400x128xf32, #tpu.memory_space<vmem>>) offsets(%arg5 : memref<400xi32, #tpu.memory_space<vmem>>) semaphore(%arg11 : memref<!tpu.dma_semaphore, #tpu.memory_space<semaphore_mem>>)
    %add3A_56 = arith.constant 400 : i32
    %add3A_57 = arith.addi %mul3A_2, %add3A_56 : i32
    %dma_start3A_58 = arith.constant 0 : i32
    %dma_start3A_59 = tpu.memref_slice %arg4[%add3A_57, %dma_start3A_58] : memref<102400x128xf32, #tpu.memory_space<hbm>> -> memref<400x128xf32, #tpu.memory_space<hbm>>
    %dma_start3A_60 = arith.constant 0 : i32
    %dma_start3A_61 = tpu.memref_slice %arg4[%add3A_57, %dma_start3A_60] : memref<102400x128xf32, #tpu.memory_space<hbm>> -> memref<400x128xf32, #tpu.memory_space<hbm>>
    tpu.enqueue_dma source(%arg8 : memref<400x128xf32, #tpu.memory_space<vmem>>) target(%dma_start3A_61 : memref<400x128xf32, #tpu.memory_space<hbm>>) target_semaphore(%arg14 : memref<!tpu.dma_semaphore, #tpu.memory_space<semaphore_mem>>)
    %dma_wait3A_62 = arith.constant 0 : i32
    %dma_wait3A_63 = arith.constant 0 : i32
    %dma_wait3A_64 = tpu.memref_slice %arg2[%dma_wait3A_62, %dma_wait3A_63] : memref<100000x128xf32, #tpu.memory_space<hbm>> -> memref<100000x128xf32, #tpu.memory_space<hbm>>
    tpu.wait_indirect_dma semaphore(%arg11 : memref<!tpu.dma_semaphore, #tpu.memory_space<semaphore_mem>>) src(%dma_wait3A_64 : memref<100000x128xf32, #tpu.memory_space<hbm>>) dst(%arg7 : memref<400x128xf32, #tpu.memory_space<vmem>>)
    %dma_wait3A_65 = arith.constant 0 : i32
    %dma_wait3A_66 = tpu.memref_slice %arg4[%add3A_57, %dma_wait3A_65] : memref<102400x128xf32, #tpu.memory_space<hbm>> -> memref<400x128xf32, #tpu.memory_space<hbm>>
    %dma_wait3A_67 = arith.constant 0 : i32
    %dma_wait3A_68 = tpu.memref_slice %arg4[%add3A_57, %dma_wait3A_67] : memref<102400x128xf32, #tpu.memory_space<hbm>> -> memref<400x128xf32, #tpu.memory_space<hbm>>
    tpu.wait_dma2 semaphore(%arg14 : memref<!tpu.dma_semaphore, #tpu.memory_space<semaphore_mem>>) src(%arg8 : memref<400x128xf32, #tpu.memory_space<vmem>>) dst(%dma_wait3A_68 : memref<400x128xf32, #tpu.memory_space<hbm>>)
    %add3A_69 = arith.constant 0 : i32
    %add3A_70 = arith.addi %add3A_69, %mul3A_2 : i32
    %add3A_71 = arith.constant 1600 : i32
    %add3A_72 = arith.addi %add3A_70, %add3A_71 : i32
    %dma_start3A_73 = tpu.memref_slice %arg3[%add3A_72] : memref<204800xi32, #tpu.memory_space<hbm>> -> memref<400xi32, #tpu.memory_space<hbm>>
    %dma_start3A_74 = tpu.memref_slice %arg3[%add3A_72] : memref<204800xi32, #tpu.memory_space<hbm>> -> memref<400xi32, #tpu.memory_space<hbm>>
    tpu.enqueue_dma source(%dma_start3A_74 : memref<400xi32, #tpu.memory_space<hbm>>) target(%arg5 : memref<400xi32, #tpu.memory_space<vmem>>) target_semaphore(%arg9 : memref<!tpu.dma_semaphore, #tpu.memory_space<semaphore_mem>>)
    %dma_wait3A_75 = tpu.memref_slice %arg3[%add3A_48] : memref<204800xi32, #tpu.memory_space<hbm>> -> memref<400xi32, #tpu.memory_space<hbm>>
    %dma_wait3A_76 = tpu.memref_slice %arg3[%add3A_48] : memref<204800xi32, #tpu.memory_space<hbm>> -> memref<400xi32, #tpu.memory_space<hbm>>
    tpu.wait_dma2 semaphore(%arg10 : memref<!tpu.dma_semaphore, #tpu.memory_space<semaphore_mem>>) src(%dma_wait3A_76 : memref<400xi32, #tpu.memory_space<hbm>>) dst(%arg6 : memref<400xi32, #tpu.memory_space<vmem>>)
    %dma_start3A_77 = arith.constant 0 : i32
    %dma_start3A_78 = arith.constant 0 : i32
    %dma_start3A_79 = tpu.memref_slice %arg2[%dma_start3A_77, %dma_start3A_78] : memref<100000x128xf32, #tpu.memory_space<hbm>> -> memref<100000x128xf32, #tpu.memory_space<hbm>>
    tpu.enqueue_indirect_dma source(%dma_start3A_79 : memref<100000x128xf32, #tpu.memory_space<hbm>>) target(%arg8 : memref<400x128xf32, #tpu.memory_space<vmem>>) offsets(%arg6 : memref<400xi32, #tpu.memory_space<vmem>>) semaphore(%arg12 : memref<!tpu.dma_semaphore, #tpu.memory_space<semaphore_mem>>)
    %add3A_80 = arith.constant 800 : i32
    %add3A_81 = arith.addi %mul3A_2, %add3A_80 : i32
    %dma_start3A_82 = arith.constant 0 : i32
    %dma_start3A_83 = tpu.memref_slice %arg4[%add3A_81, %dma_start3A_82] : memref<102400x128xf32, #tpu.memory_space<hbm>> -> memref<400x128xf32, #tpu.memory_space<hbm>>
    %dma_start3A_84 = arith.constant 0 : i32
    %dma_start3A_85 = tpu.memref_slice %arg4[%add3A_81, %dma_start3A_84] : memref<102400x128xf32, #tpu.memory_space<hbm>> -> memref<400x128xf32, #tpu.memory_space<hbm>>
    tpu.enqueue_dma source(%arg7 : memref<400x128xf32, #tpu.memory_space<vmem>>) target(%dma_start3A_85 : memref<400x128xf32, #tpu.memory_space<hbm>>) target_semaphore(%arg13 : memref<!tpu.dma_semaphore, #tpu.memory_space<semaphore_mem>>)
    %dma_wait3A_86 = arith.constant 0 : i32
    %dma_wait3A_87 = arith.constant 0 : i32
    %dma_wait3A_88 = tpu.memref_slice %arg2[%dma_wait3A_86, %dma_wait3A_87] : memref<100000x128xf32, #tpu.memory_space<hbm>> -> memref<100000x128xf32, #tpu.memory_space<hbm>>
    tpu.wait_indirect_dma semaphore(%arg12 : memref<!tpu.dma_semaphore, #tpu.memory_space<semaphore_mem>>) src(%dma_wait3A_88 : memref<100000x128xf32, #tpu.memory_space<hbm>>) dst(%arg8 : memref<400x128xf32, #tpu.memory_space<vmem>>)
    %dma_wait3A_89 = arith.constant 0 : i32
    %dma_wait3A_90 = tpu.memref_slice %arg4[%add3A_81, %dma_wait3A_89] : memref<102400x128xf32, #tpu.memory_space<hbm>> -> memref<400x128xf32, #tpu.memory_space<hbm>>
    %dma_wait3A_91 = arith.constant 0 : i32
    %dma_wait3A_92 = tpu.memref_slice %arg4[%add3A_81, %dma_wait3A_91] : memref<102400x128xf32, #tpu.memory_space<hbm>> -> memref<400x128xf32, #tpu.memory_space<hbm>>
    tpu.wait_dma2 semaphore(%arg13 : memref<!tpu.dma_semaphore, #tpu.memory_space<semaphore_mem>>) src(%arg7 : memref<400x128xf32, #tpu.memory_space<vmem>>) dst(%dma_wait3A_92 : memref<400x128xf32, #tpu.memory_space<hbm>>)
    %add3A_93 = arith.constant 0 : i32
    %add3A_94 = arith.addi %add3A_93, %mul3A_2 : i32
    %add3A_95 = arith.constant 2000 : i32
    %add3A_96 = arith.addi %add3A_94, %add3A_95 : i32
    %dma_start3A_97 = tpu.memref_slice %arg3[%add3A_96] : memref<204800xi32, #tpu.memory_space<hbm>> -> memref<400xi32, #tpu.memory_space<hbm>>
    %dma_start3A_98 = tpu.memref_slice %arg3[%add3A_96] : memref<204800xi32, #tpu.memory_space<hbm>> -> memref<400xi32, #tpu.memory_space<hbm>>
    tpu.enqueue_dma source(%dma_start3A_98 : memref<400xi32, #tpu.memory_space<hbm>>) target(%arg6 : memref<400xi32, #tpu.memory_space<vmem>>) target_semaphore(%arg10 : memref<!tpu.dma_semaphore, #tpu.memory_space<semaphore_mem>>)
    %dma_wait3A_99 = tpu.memref_slice %arg3[%add3A_72] : memref<204800xi32, #tpu.memory_space<hbm>> -> memref<400xi32, #tpu.memory_space<hbm>>
    %dma_wait3A_100 = tpu.memref_slice %arg3[%add3A_72] : memref<204800xi32, #tpu.memory_space<hbm>> -> memref<400xi32, #tpu.memory_space<hbm>>
    tpu.wait_dma2 semaphore(%arg9 : memref<!tpu.dma_semaphore, #tpu.memory_space<semaphore_mem>>) src(%dma_wait3A_100 : memref<400xi32, #tpu.memory_space<hbm>>) dst(%arg5 : memref<400xi32, #tpu.memory_space<vmem>>)
    %dma_start3A_101 = arith.constant 0 : i32
    %dma_start3A_102 = arith.constant 0 : i32
    %dma_start3A_103 = tpu.memref_slice %arg2[%dma_start3A_101, %dma_start3A_102] : memref<100000x128xf32, #tpu.memory_space<hbm>> -> memref<100000x128xf32, #tpu.memory_space<hbm>>
    tpu.enqueue_indirect_dma source(%dma_start3A_103 : memref<100000x128xf32, #tpu.memory_space<hbm>>) target(%arg7 : memref<400x128xf32, #tpu.memory_space<vmem>>) offsets(%arg5 : memref<400xi32, #tpu.memory_space<vmem>>) semaphore(%arg11 : memref<!tpu.dma_semaphore, #tpu.memory_space<semaphore_mem>>)
    %add3A_104 = arith.constant 1200 : i32
    %add3A_105 = arith.addi %mul3A_2, %add3A_104 : i32
    %dma_start3A_106 = arith.constant 0 : i32
    %dma_start3A_107 = tpu.memref_slice %arg4[%add3A_105, %dma_start3A_106] : memref<102400x128xf32, #tpu.memory_space<hbm>> -> memref<400x128xf32, #tpu.memory_space<hbm>>
    %dma_start3A_108 = arith.constant 0 : i32
    %dma_start3A_109 = tpu.memref_slice %arg4[%add3A_105, %dma_start3A_108] : memref<102400x128xf32, #tpu.memory_space<hbm>> -> memref<400x128xf32, #tpu.memory_space<hbm>>
    tpu.enqueue_dma source(%arg8 : memref<400x128xf32, #tpu.memory_space<vmem>>) target(%dma_start3A_109 : memref<400x128xf32, #tpu.memory_space<hbm>>) target_semaphore(%arg14 : memref<!tpu.dma_semaphore, #tpu.memory_space<semaphore_mem>>)
    %dma_wait3A_110 = arith.constant 0 : i32
    %dma_wait3A_111 = arith.constant 0 : i32
    %dma_wait3A_112 = tpu.memref_slice %arg2[%dma_wait3A_110, %dma_wait3A_111] : memref<100000x128xf32, #tpu.memory_space<hbm>> -> memref<100000x128xf32, #tpu.memory_space<hbm>>
    tpu.wait_indirect_dma semaphore(%arg11 : memref<!tpu.dma_semaphore, #tpu.memory_space<semaphore_mem>>) src(%dma_wait3A_112 : memref<100000x128xf32, #tpu.memory_space<hbm>>) dst(%arg7 : memref<400x128xf32, #tpu.memory_space<vmem>>)
    %dma_wait3A_113 = arith.constant 0 : i32
    %dma_wait3A_114 = tpu.memref_slice %arg4[%add3A_105, %dma_wait3A_113] : memref<102400x128xf32, #tpu.memory_space<hbm>> -> memref<400x128xf32, #tpu.memory_space<hbm>>
    %dma_wait3A_115 = arith.constant 0 : i32
    %dma_wait3A_116 = tpu.memref_slice %arg4[%add3A_105, %dma_wait3A_115] : memref<102400x128xf32, #tpu.memory_space<hbm>> -> memref<400x128xf32, #tpu.memory_space<hbm>>
    tpu.wait_dma2 semaphore(%arg14 : memref<!tpu.dma_semaphore, #tpu.memory_space<semaphore_mem>>) src(%arg8 : memref<400x128xf32, #tpu.memory_space<vmem>>) dst(%dma_wait3A_116 : memref<400x128xf32, #tpu.memory_space<hbm>>)
    %add3A_117 = arith.constant 0 : i32
    %add3A_118 = arith.addi %add3A_117, %mul3A_2 : i32
    %add3A_119 = arith.constant 2400 : i32
    %add3A_120 = arith.addi %add3A_118, %add3A_119 : i32
    %dma_start3A_121 = tpu.memref_slice %arg3[%add3A_120] : memref<204800xi32, #tpu.memory_space<hbm>> -> memref<400xi32, #tpu.memory_space<hbm>>
    %dma_start3A_122 = tpu.memref_slice %arg3[%add3A_120] : memref<204800xi32, #tpu.memory_space<hbm>> -> memref<400xi32, #tpu.memory_space<hbm>>
    tpu.enqueue_dma source(%dma_start3A_122 : memref<400xi32, #tpu.memory_space<hbm>>) target(%arg5 : memref<400xi32, #tpu.memory_space<vmem>>) target_semaphore(%arg9 : memref<!tpu.dma_semaphore, #tpu.memory_space<semaphore_mem>>)
    %dma_wait3A_123 = tpu.memref_slice %arg3[%add3A_96] : memref<204800xi32, #tpu.memory_space<hbm>> -> memref<400xi32, #tpu.memory_space<hbm>>
    %dma_wait3A_124 = tpu.memref_slice %arg3[%add3A_96] : memref<204800xi32, #tpu.memory_space<hbm>> -> memref<400xi32, #tpu.memory_space<hbm>>
    tpu.wait_dma2 semaphore(%arg10 : memref<!tpu.dma_semaphore, #tpu.memory_space<semaphore_mem>>) src(%dma_wait3A_124 : memref<400xi32, #tpu.memory_space<hbm>>) dst(%arg6 : memref<400xi32, #tpu.memory_space<vmem>>)
    %dma_start3A_125 = arith.constant 0 : i32
    %dma_start3A_126 = arith.constant 0 : i32
    %dma_start3A_127 = tpu.memref_slice %arg2[%dma_start3A_125, %dma_start3A_126] : memref<100000x128xf32, #tpu.memory_space<hbm>> -> memref<100000x128xf32, #tpu.memory_space<hbm>>
    tpu.enqueue_indirect_dma source(%dma_start3A_127 : memref<100000x128xf32, #tpu.memory_space<hbm>>) target(%arg8 : memref<400x128xf32, #tpu.memory_space<vmem>>) offsets(%arg6 : memref<400xi32, #tpu.memory_space<vmem>>) semaphore(%arg12 : memref<!tpu.dma_semaphore, #tpu.memory_space<semaphore_mem>>)
    %add3A_128 = arith.constant 1600 : i32
    %add3A_129 = arith.addi %mul3A_2, %add3A_128 : i32
    %dma_start3A_130 = arith.constant 0 : i32
    %dma_start3A_131 = tpu.memref_slice %arg4[%add3A_129, %dma_start3A_130] : memref<102400x128xf32, #tpu.memory_space<hbm>> -> memref<400x128xf32, #tpu.memory_space<hbm>>
    %dma_start3A_132 = arith.constant 0 : i32
    %dma_start3A_133 = tpu.memref_slice %arg4[%add3A_129, %dma_start3A_132] : memref<102400x128xf32, #tpu.memory_space<hbm>> -> memref<400x128xf32, #tpu.memory_space<hbm>>
    tpu.enqueue_dma source(%arg7 : memref<400x128xf32, #tpu.memory_space<vmem>>) target(%dma_start3A_133 : memref<400x128xf32, #tpu.memory_space<hbm>>) target_semaphore(%arg13 : memref<!tpu.dma_semaphore, #tpu.memory_space<semaphore_mem>>)
    %dma_wait3A_134 = arith.constant 0 : i32
    %dma_wait3A_135 = arith.constant 0 : i32
    %dma_wait3A_136 = tpu.memref_slice %arg2[%dma_wait3A_134, %dma_wait3A_135] : memref<100000x128xf32, #tpu.memory_space<hbm>> -> memref<100000x128xf32, #tpu.memory_space<hbm>>
    tpu.wait_indirect_dma semaphore(%arg12 : memref<!tpu.dma_semaphore, #tpu.memory_space<semaphore_mem>>) src(%dma_wait3A_136 : memref<100000x128xf32, #tpu.memory_space<hbm>>) dst(%arg8 : memref<400x128xf32, #tpu.memory_space<vmem>>)
    %dma_wait3A_137 = arith.constant 0 : i32
    %dma_wait3A_138 = tpu.memref_slice %arg4[%add3A_129, %dma_wait3A_137] : memref<102400x128xf32, #tpu.memory_space<hbm>> -> memref<400x128xf32, #tpu.memory_space<hbm>>
    %dma_wait3A_139 = arith.constant 0 : i32
    %dma_wait3A_140 = tpu.memref_slice %arg4[%add3A_129, %dma_wait3A_139] : memref<102400x128xf32, #tpu.memory_space<hbm>> -> memref<400x128xf32, #tpu.memory_space<hbm>>
    tpu.wait_dma2 semaphore(%arg13 : memref<!tpu.dma_semaphore, #tpu.memory_space<semaphore_mem>>) src(%arg7 : memref<400x128xf32, #tpu.memory_space<vmem>>) dst(%dma_wait3A_140 : memref<400x128xf32, #tpu.memory_space<hbm>>)
    %add3A_141 = arith.constant 0 : i32
    %add3A_142 = arith.addi %add3A_141, %mul3A_2 : i32
    %add3A_143 = arith.constant 2800 : i32
    %add3A_144 = arith.addi %add3A_142, %add3A_143 : i32
    %dma_start3A_145 = tpu.memref_slice %arg3[%add3A_144] : memref<204800xi32, #tpu.memory_space<hbm>> -> memref<400xi32, #tpu.memory_space<hbm>>
    %dma_start3A_146 = tpu.memref_slice %arg3[%add3A_144] : memref<204800xi32, #tpu.memory_space<hbm>> -> memref<400xi32, #tpu.memory_space<hbm>>
    tpu.enqueue_dma source(%dma_start3A_146 : memref<400xi32, #tpu.memory_space<hbm>>) target(%arg6 : memref<400xi32, #tpu.memory_space<vmem>>) target_semaphore(%arg10 : memref<!tpu.dma_semaphore, #tpu.memory_space<semaphore_mem>>)
    %dma_wait3A_147 = tpu.memref_slice %arg3[%add3A_120] : memref<204800xi32, #tpu.memory_space<hbm>> -> memref<400xi32, #tpu.memory_space<hbm>>
    %dma_wait3A_148 = tpu.memref_slice %arg3[%add3A_120] : memref<204800xi32, #tpu.memory_space<hbm>> -> memref<400xi32, #tpu.memory_space<hbm>>
    tpu.wait_dma2 semaphore(%arg9 : memref<!tpu.dma_semaphore, #tpu.memory_space<semaphore_mem>>) src(%dma_wait3A_148 : memref<400xi32, #tpu.memory_space<hbm>>) dst(%arg5 : memref<400xi32, #tpu.memory_space<vmem>>)
    %dma_start3A_149 = arith.constant 0 : i32
    %dma_start3A_150 = arith.constant 0 : i32
    %dma_start3A_151 = tpu.memref_slice %arg2[%dma_start3A_149, %dma_start3A_150] : memref<100000x128xf32, #tpu.memory_space<hbm>> -> memref<100000x128xf32, #tpu.memory_space<hbm>>
    tpu.enqueue_indirect_dma source(%dma_start3A_151 : memref<100000x128xf32, #tpu.memory_space<hbm>>) target(%arg7 : memref<400x128xf32, #tpu.memory_space<vmem>>) offsets(%arg5 : memref<400xi32, #tpu.memory_space<vmem>>) semaphore(%arg11 : memref<!tpu.dma_semaphore, #tpu.memory_space<semaphore_mem>>)
    %add3A_152 = arith.constant 2000 : i32
    %add3A_153 = arith.addi %mul3A_2, %add3A_152 : i32
    %dma_start3A_154 = arith.constant 0 : i32
    %dma_start3A_155 = tpu.memref_slice %arg4[%add3A_153, %dma_start3A_154] : memref<102400x128xf32, #tpu.memory_space<hbm>> -> memref<400x128xf32, #tpu.memory_space<hbm>>
    %dma_start3A_156 = arith.constant 0 : i32
    %dma_start3A_157 = tpu.memref_slice %arg4[%add3A_153, %dma_start3A_156] : memref<102400x128xf32, #tpu.memory_space<hbm>> -> memref<400x128xf32, #tpu.memory_space<hbm>>
    tpu.enqueue_dma source(%arg8 : memref<400x128xf32, #tpu.memory_space<vmem>>) target(%dma_start3A_157 : memref<400x128xf32, #tpu.memory_space<hbm>>) target_semaphore(%arg14 : memref<!tpu.dma_semaphore, #tpu.memory_space<semaphore_mem>>)
    %dma_wait3A_158 = arith.constant 0 : i32
    %dma_wait3A_159 = arith.constant 0 : i32
    %dma_wait3A_160 = tpu.memref_slice %arg2[%dma_wait3A_158, %dma_wait3A_159] : memref<100000x128xf32, #tpu.memory_space<hbm>> -> memref<100000x128xf32, #tpu.memory_space<hbm>>
    tpu.wait_indirect_dma semaphore(%arg11 : memref<!tpu.dma_semaphore, #tpu.memory_space<semaphore_mem>>) src(%dma_wait3A_160 : memref<100000x128xf32, #tpu.memory_space<hbm>>) dst(%arg7 : memref<400x128xf32, #tpu.memory_space<vmem>>)
    %dma_wait3A_161 = arith.constant 0 : i32
    %dma_wait3A_162 = tpu.memref_slice %arg4[%add3A_153, %dma_wait3A_161] : memref<102400x128xf32, #tpu.memory_space<hbm>> -> memref<400x128xf32, #tpu.memory_space<hbm>>
    %dma_wait3A_163 = arith.constant 0 : i32
    %dma_wait3A_164 = tpu.memref_slice %arg4[%add3A_153, %dma_wait3A_163] : memref<102400x128xf32, #tpu.memory_space<hbm>> -> memref<400x128xf32, #tpu.memory_space<hbm>>
    tpu.wait_dma2 semaphore(%arg14 : memref<!tpu.dma_semaphore, #tpu.memory_space<semaphore_mem>>) src(%arg8 : memref<400x128xf32, #tpu.memory_space<vmem>>) dst(%dma_wait3A_164 : memref<400x128xf32, #tpu.memory_space<hbm>>)
    %dma_wait3A_165 = tpu.memref_slice %arg3[%add3A_144] : memref<204800xi32, #tpu.memory_space<hbm>> -> memref<400xi32, #tpu.memory_space<hbm>>
    %dma_wait3A_166 = tpu.memref_slice %arg3[%add3A_144] : memref<204800xi32, #tpu.memory_space<hbm>> -> memref<400xi32, #tpu.memory_space<hbm>>
    tpu.wait_dma2 semaphore(%arg10 : memref<!tpu.dma_semaphore, #tpu.memory_space<semaphore_mem>>) src(%dma_wait3A_166 : memref<400xi32, #tpu.memory_space<hbm>>) dst(%arg6 : memref<400xi32, #tpu.memory_space<vmem>>)
    %dma_start3A_167 = arith.constant 0 : i32
    %dma_start3A_168 = arith.constant 0 : i32
    %dma_start3A_169 = tpu.memref_slice %arg2[%dma_start3A_167, %dma_start3A_168] : memref<100000x128xf32, #tpu.memory_space<hbm>> -> memref<100000x128xf32, #tpu.memory_space<hbm>>
    tpu.enqueue_indirect_dma source(%dma_start3A_169 : memref<100000x128xf32, #tpu.memory_space<hbm>>) target(%arg8 : memref<400x128xf32, #tpu.memory_space<vmem>>) offsets(%arg6 : memref<400xi32, #tpu.memory_space<vmem>>) semaphore(%arg12 : memref<!tpu.dma_semaphore, #tpu.memory_space<semaphore_mem>>)
    %add3A_170 = arith.constant 2400 : i32
    %add3A_171 = arith.addi %mul3A_2, %add3A_170 : i32
    %dma_start3A_172 = arith.constant 0 : i32
    %dma_start3A_173 = tpu.memref_slice %arg4[%add3A_171, %dma_start3A_172] : memref<102400x128xf32, #tpu.memory_space<hbm>> -> memref<400x128xf32, #tpu.memory_space<hbm>>
    %dma_start3A_174 = arith.constant 0 : i32
    %dma_start3A_175 = tpu.memref_slice %arg4[%add3A_171, %dma_start3A_174] : memref<102400x128xf32, #tpu.memory_space<hbm>> -> memref<400x128xf32, #tpu.memory_space<hbm>>
    tpu.enqueue_dma source(%arg7 : memref<400x128xf32, #tpu.memory_space<vmem>>) target(%dma_start3A_175 : memref<400x128xf32, #tpu.memory_space<hbm>>) target_semaphore(%arg13 : memref<!tpu.dma_semaphore, #tpu.memory_space<semaphore_mem>>)
    %dma_wait3A_176 = arith.constant 0 : i32
    %dma_wait3A_177 = arith.constant 0 : i32
    %dma_wait3A_178 = tpu.memref_slice %arg2[%dma_wait3A_176, %dma_wait3A_177] : memref<100000x128xf32, #tpu.memory_space<hbm>> -> memref<100000x128xf32, #tpu.memory_space<hbm>>
    tpu.wait_indirect_dma semaphore(%arg12 : memref<!tpu.dma_semaphore, #tpu.memory_space<semaphore_mem>>) src(%dma_wait3A_178 : memref<100000x128xf32, #tpu.memory_space<hbm>>) dst(%arg8 : memref<400x128xf32, #tpu.memory_space<vmem>>)
    %dma_wait3A_179 = arith.constant 0 : i32
    %dma_wait3A_180 = tpu.memref_slice %arg4[%add3A_171, %dma_wait3A_179] : memref<102400x128xf32, #tpu.memory_space<hbm>> -> memref<400x128xf32, #tpu.memory_space<hbm>>
    %dma_wait3A_181 = arith.constant 0 : i32
    %dma_wait3A_182 = tpu.memref_slice %arg4[%add3A_171, %dma_wait3A_181] : memref<102400x128xf32, #tpu.memory_space<hbm>> -> memref<400x128xf32, #tpu.memory_space<hbm>>
    tpu.wait_dma2 semaphore(%arg13 : memref<!tpu.dma_semaphore, #tpu.memory_space<semaphore_mem>>) src(%arg7 : memref<400x128xf32, #tpu.memory_space<vmem>>) dst(%dma_wait3A_182 : memref<400x128xf32, #tpu.memory_space<hbm>>)
    %add3A_183 = arith.constant 2800 : i32
    %add3A_184 = arith.addi %mul3A_2, %add3A_183 : i32
    %dma_start3A_185 = arith.constant 0 : i32
    %dma_start3A_186 = tpu.memref_slice %arg4[%add3A_184, %dma_start3A_185] : memref<102400x128xf32, #tpu.memory_space<hbm>> -> memref<400x128xf32, #tpu.memory_space<hbm>>
    %dma_start3A_187 = arith.constant 0 : i32
    %dma_start3A_188 = tpu.memref_slice %arg4[%add3A_184, %dma_start3A_187] : memref<102400x128xf32, #tpu.memory_space<hbm>> -> memref<400x128xf32, #tpu.memory_space<hbm>>
    tpu.enqueue_dma source(%arg8 : memref<400x128xf32, #tpu.memory_space<vmem>>) target(%dma_start3A_188 : memref<400x128xf32, #tpu.memory_space<hbm>>) target_semaphore(%arg14 : memref<!tpu.dma_semaphore, #tpu.memory_space<semaphore_mem>>)
    %dma_wait3A_189 = arith.constant 0 : i32
    %dma_wait3A_190 = tpu.memref_slice %arg4[%add3A_184, %dma_wait3A_189] : memref<102400x128xf32, #tpu.memory_space<hbm>> -> memref<400x128xf32, #tpu.memory_space<hbm>>
    %dma_wait3A_191 = arith.constant 0 : i32
    %dma_wait3A_192 = tpu.memref_slice %arg4[%add3A_184, %dma_wait3A_191] : memref<102400x128xf32, #tpu.memory_space<hbm>> -> memref<400x128xf32, #tpu.memory_space<hbm>>
    tpu.wait_dma2 semaphore(%arg14 : memref<!tpu.dma_semaphore, #tpu.memory_space<semaphore_mem>>) src(%arg8 : memref<400x128xf32, #tpu.memory_space<vmem>>) dst(%dma_wait3A_192 : memref<400x128xf32, #tpu.memory_space<hbm>>)
    return
  }
}

module attributes {stable_mosaic.version = 14 : i64} {
  func.func @_mm_body(%arg0: i32, %arg1: memref<7x12800xf32, #tpu.memory_space<vmem>>, %arg2: memref<12800x128xf32, #tpu.memory_space<vmem>>, %arg3: memref<8x128xf32, #tpu.memory_space<vmem>>, %arg4: memref<1x128xf32, #tpu.memory_space<vmem>>, %arg5: memref<256x128xf32, #tpu.memory_space<vmem>>, %arg6: memref<1x128xf32, #tpu.memory_space<vmem>>, %arg7: memref<12800x128xf32, #tpu.memory_space<vmem>>, %arg8: memref<8x128xf32, #tpu.memory_space<vmem>>, %arg9: memref<1x128xf32, #tpu.memory_space<vmem>>) attributes {dimension_semantics = [#tpu.dimension_semantics<arbitrary>], iteration_bounds = array<i64: 8>, scalar_prefetch = 0 : i64, scratch_operands = 2 : i64, tpu.core_type = #tpu.core_type<tc>, window_params = [{transform_indices = @transform_0, window_bounds = array<i64: 7, 12800>}, {transform_indices = @transform_1, window_bounds = array<i64: 12800, 128>}, {pipeline_mode = #tpu.pipeline_mode<synchronous>, transform_indices = @transform_2, window_bounds = array<i64: 8, 128>}, {pipeline_mode = #tpu.pipeline_mode<synchronous>, transform_indices = @transform_3, window_bounds = array<i64: 1, 128>}, {pipeline_mode = #tpu.pipeline_mode<synchronous>, transform_indices = @transform_4, window_bounds = array<i64: 256, 128>}, {pipeline_mode = #tpu.pipeline_mode<synchronous>, transform_indices = @transform_5, window_bounds = array<i64: 1, 128>}, {transform_indices = @transform_6, window_bounds = array<i64: 12800, 128>}]} {
    %get3A = arith.constant 0 : index
    %get3A_0 = arith.constant 0 : index
    %get3A_1 = vector.load %arg5[%get3A, %get3A_0] : memref<256x128xf32, #tpu.memory_space<vmem>>, vector<128x128xf32>
    %eq3A = arith.constant 0 : i32
    %eq3A_2 = arith.cmpi eq, %arg0, %eq3A : i32
    %convert_element_type3A = arith.extui %eq3A_2 : i1 to i32
    %cond3A = arith.constant 0 : i32
    %cond3A_3 = arith.cmpi ne, %convert_element_type3A, %cond3A : i32
    scf.if %cond3A_3 {
      %get3A_26 = arith.constant 0 : index
      %get3A_27 = arith.constant 0 : index
      %get3A_28 = vector.load %arg3[%get3A_26, %get3A_27] : memref<8x128xf32, #tpu.memory_space<vmem>>, vector<8x128xf32>
      %dot_general3A_29 = arith.constant dense<0.000000e+00> : vector<8x128xf32>
      %dot_general3A_30 = tpu.matmul %get3A_28, %get3A_1, %dot_general3A_29 {dimension_numbers = #tpu.dot_dimension_numbers<[1], [0], [0], [1], [0, 0, 1, 1], [], []>, precision = #tpu.contract_precision<fp32>, transpose_lhs_hint = false} : vector<8x128xf32>, vector<128x128xf32>, vector<8x128xf32> -> vector<8x128xf32>
      %swap3A_31 = arith.constant 0 : index
      %swap3A_32 = arith.constant 0 : index
      %swap3A_33 = vector.load %arg8[%swap3A_31, %swap3A_32] : memref<8x128xf32, #tpu.memory_space<vmem>>, vector<8x128xf32>
      tpu.vector_store %arg8[%swap3A_31, %swap3A_32], %dot_general3A_30 {strides = array<i32>} : memref<8x128xf32, #tpu.memory_space<vmem>>, vector<8x128xf32>,
      %get3A_34 = arith.constant 0 : index
      %get3A_35 = arith.constant 0 : index
      %get3A_36 = vector.load %arg4[%get3A_34, %get3A_35] : memref<1x128xf32, #tpu.memory_space<vmem>>, vector<1x128xf32>
      %dot_general3A_37 = arith.constant dense<0.000000e+00> : vector<1x128xf32>
      %dot_general3A_38 = tpu.matmul %get3A_36, %get3A_1, %dot_general3A_37 {dimension_numbers = #tpu.dot_dimension_numbers<[1], [0], [0], [1], [0, 0, 1, 1], [], []>, precision = #tpu.contract_precision<fp32>, transpose_lhs_hint = false} : vector<1x128xf32>, vector<128x128xf32>, vector<1x128xf32> -> vector<1x128xf32>
      %get3A_39 = arith.constant 0 : index
      %get3A_40 = arith.constant 0 : index
      %get3A_41 = vector.load %arg6[%get3A_39, %get3A_40] : memref<1x128xf32, #tpu.memory_space<vmem>>, vector<1x128xf32>
      %add3A_42 = arith.addf %dot_general3A_38, %get3A_41 : vector<1x128xf32>
      %swap3A_43 = arith.constant 0 : index
      %swap3A_44 = arith.constant 0 : index
      %swap3A_45 = vector.load %arg9[%swap3A_43, %swap3A_44] : memref<1x128xf32, #tpu.memory_space<vmem>>, vector<1x128xf32>
      tpu.vector_store %arg9[%swap3A_43, %swap3A_44], %add3A_42 {strides = array<i32>} : memref<1x128xf32, #tpu.memory_space<vmem>>, vector<1x128xf32>,
    } else {
    }
    %get3A_4 = arith.constant 128 : index
    %get3A_5 = arith.constant 0 : index
    %get3A_6 = vector.load %arg5[%get3A_4, %get3A_5] : memref<256x128xf32, #tpu.memory_space<vmem>>, vector<128x128xf32>
    %get3A_7 = arith.constant 0 : index
    %get3A_8 = arith.constant 0 : index
    %get3A_9 = vector.load %arg1[%get3A_7, %get3A_8] : memref<7x12800xf32, #tpu.memory_space<vmem>>, vector<7x12800xf32>
    %get3A_10 = arith.constant 0 : index
    %get3A_11 = arith.constant 0 : index
    %get3A_12 = vector.load %arg8[%get3A_10, %get3A_11] : memref<8x128xf32, #tpu.memory_space<vmem>>, vector<7x128xf32>
    %dot_general3A = arith.constant dense<0.000000e+00> : vector<12800x128xf32>
    %dot_general3A_13 = tpu.matmul %get3A_9, %get3A_12, %dot_general3A {dimension_numbers = #tpu.dot_dimension_numbers<[0], [0], [1], [1], [0, 1, 1, 1], [], []>, transpose_lhs_hint = false} : vector<7x12800xf32>, vector<7x128xf32>, vector<12800x128xf32> -> vector<12800x128xf32>
    %get3A_14 = arith.constant 0 : index
    %get3A_15 = arith.constant 0 : index
    %get3A_16 = vector.load %arg2[%get3A_14, %get3A_15] : memref<12800x128xf32, #tpu.memory_space<vmem>>, vector<12800x128xf32>
    %dot_general3A_17 = arith.constant dense<0.000000e+00> : vector<12800x128xf32>
    %dot_general3A_18 = tpu.matmul %get3A_16, %get3A_6, %dot_general3A_17 {dimension_numbers = #tpu.dot_dimension_numbers<[1], [0], [0], [1], [0, 0, 1, 1], [], []>, transpose_lhs_hint = false} : vector<12800x128xf32>, vector<128x128xf32>, vector<12800x128xf32> -> vector<12800x128xf32>
    %add3A = arith.addf %dot_general3A_13, %dot_general3A_18 : vector<12800x128xf32>
    %get3A_19 = arith.constant 0 : index
    %get3A_20 = arith.constant 0 : index
    %get3A_21 = vector.load %arg9[%get3A_19, %get3A_20] : memref<1x128xf32, #tpu.memory_space<vmem>>, vector<1x128xf32>
    %add3A_22 = vector.broadcast %get3A_21 : vector<1x128xf32> to vector<12800x128xf32>
    %add3A_23 = arith.addf %add3A, %add3A_22 : vector<12800x128xf32>
    %swap3A = arith.constant 0 : index
    %swap3A_24 = arith.constant 0 : index
    %swap3A_25 = vector.load %arg7[%swap3A, %swap3A_24] : memref<12800x128xf32, #tpu.memory_space<vmem>>, vector<12800x128xf32>
    tpu.vector_store %arg7[%swap3A, %swap3A_24], %add3A_23 {strides = array<i32>} : memref<12800x128xf32, #tpu.memory_space<vmem>>, vector<12800x128xf32>,
    return
  }
  func.func @transform_0(%arg0: i32) -> (i32, i32) {
    %add3A = arith.constant 0 : i32
    %add3A_0 = arith.addi %add3A, %arg0 : i32
    %c0_i32 = arith.constant 0 : i32
    %c0_i32_1 = arith.constant 0 : i32
    return %c0_i32, %add3A_0 : i32, i32
  }
  func.func @transform_1(%arg0: i32) -> (i32, i32) {
    %c0_i32 = arith.constant 0 : i32
    %c0_i32_0 = arith.constant 0 : i32
    return %arg0, %c0_i32 : i32, i32
  }
  func.func @transform_2(%arg0: i32) -> (i32, i32) {
    %c0_i32 = arith.constant 0 : i32
    %c0_i32_0 = arith.constant 0 : i32
    %c0_i32_1 = arith.constant 0 : i32
    return %c0_i32, %c0_i32_0 : i32, i32
  }
  func.func @transform_3(%arg0: i32) -> (i32, i32) {
    %c0_i32 = arith.constant 0 : i32
    %c0_i32_0 = arith.constant 0 : i32
    %c0_i32_1 = arith.constant 0 : i32
    return %c0_i32, %c0_i32_0 : i32, i32
  }
  func.func @transform_4(%arg0: i32) -> (i32, i32) {
    %c0_i32 = arith.constant 0 : i32
    %c0_i32_0 = arith.constant 0 : i32
    %c0_i32_1 = arith.constant 0 : i32
    return %c0_i32, %c0_i32_0 : i32, i32
  }
  func.func @transform_5(%arg0: i32) -> (i32, i32) {
    %c0_i32 = arith.constant 0 : i32
    %c0_i32_0 = arith.constant 0 : i32
    %c0_i32_1 = arith.constant 0 : i32
    return %c0_i32, %c0_i32_0 : i32, i32
  }
  func.func @transform_6(%arg0: i32) -> (i32, i32) {
    %add3A = arith.constant 0 : i32
    %add3A_0 = arith.addi %add3A, %arg0 : i32
    %c0_i32 = arith.constant 0 : i32
    %c0_i32_1 = arith.constant 0 : i32
    return %add3A_0, %c0_i32 : i32, i32
  }
}

module attributes {stable_mosaic.version = 14 : i64} {
  func.func @_mm_body(%arg0: i32, %arg1: memref<7x12800xf32, #tpu.memory_space<vmem>>, %arg2: memref<12800x128xf32, #tpu.memory_space<vmem>>, %arg3: memref<8x128xf32, #tpu.memory_space<vmem>>, %arg4: memref<1x128xf32, #tpu.memory_space<vmem>>, %arg5: memref<256x128xf32, #tpu.memory_space<vmem>>, %arg6: memref<1x128xf32, #tpu.memory_space<vmem>>, %arg7: memref<204800x128xf32, #tpu.memory_space<any>>, %arg8: memref<12800x128xf32, #tpu.memory_space<vmem>>, %arg9: memref<8x128xf32, #tpu.memory_space<vmem>>, %arg10: memref<1x128xf32, #tpu.memory_space<vmem>>) attributes {dimension_semantics = [#tpu.dimension_semantics<arbitrary>], iteration_bounds = array<i64: 8>, scalar_prefetch = 0 : i64, scratch_operands = 2 : i64, tpu.core_type = #tpu.core_type<tc>, window_params = [{transform_indices = @transform_0, window_bounds = array<i64: 7, 12800>}, {transform_indices = @transform_1, window_bounds = array<i64: 12800, 128>}, {pipeline_mode = #tpu.pipeline_mode<synchronous>, transform_indices = @transform_2, window_bounds = array<i64: 8, 128>}, {pipeline_mode = #tpu.pipeline_mode<synchronous>, transform_indices = @transform_3, window_bounds = array<i64: 1, 128>}, {pipeline_mode = #tpu.pipeline_mode<synchronous>, transform_indices = @transform_4, window_bounds = array<i64: 256, 128>}, {pipeline_mode = #tpu.pipeline_mode<synchronous>, transform_indices = @transform_5, window_bounds = array<i64: 1, 128>}, {}, {transform_indices = @transform_7, window_bounds = array<i64: 12800, 128>}]} {
    %get3A = arith.constant 0 : index
    %get3A_0 = arith.constant 0 : index
    %get3A_1 = vector.load %arg5[%get3A, %get3A_0] : memref<256x128xf32, #tpu.memory_space<vmem>>, vector<128x128xf32>
    %eq3A = arith.constant 0 : i32
    %eq3A_2 = arith.cmpi eq, %arg0, %eq3A : i32
    %convert_element_type3A = arith.extui %eq3A_2 : i1 to i32
    %cond3A = arith.constant 0 : i32
    %cond3A_3 = arith.cmpi ne, %convert_element_type3A, %cond3A : i32
    scf.if %cond3A_3 {
      %get3A_26 = arith.constant 0 : index
      %get3A_27 = arith.constant 0 : index
      %get3A_28 = vector.load %arg3[%get3A_26, %get3A_27] : memref<8x128xf32, #tpu.memory_space<vmem>>, vector<8x128xf32>
      %dot_general3A_29 = arith.constant dense<0.000000e+00> : vector<8x128xf32>
      %dot_general3A_30 = tpu.matmul %get3A_28, %get3A_1, %dot_general3A_29 {dimension_numbers = #tpu.dot_dimension_numbers<[1], [0], [0], [1], [0, 0, 1, 1], [], []>, precision = #tpu.contract_precision<fp32>, transpose_lhs_hint = false} : vector<8x128xf32>, vector<128x128xf32>, vector<8x128xf32> -> vector<8x128xf32>
      %swap3A_31 = arith.constant 0 : index
      %swap3A_32 = arith.constant 0 : index
      %swap3A_33 = vector.load %arg9[%swap3A_31, %swap3A_32] : memref<8x128xf32, #tpu.memory_space<vmem>>, vector<8x128xf32>
      tpu.vector_store %arg9[%swap3A_31, %swap3A_32], %dot_general3A_30 {strides = array<i32>} : memref<8x128xf32, #tpu.memory_space<vmem>>, vector<8x128xf32>,
      %get3A_34 = arith.constant 0 : index
      %get3A_35 = arith.constant 0 : index
      %get3A_36 = vector.load %arg4[%get3A_34, %get3A_35] : memref<1x128xf32, #tpu.memory_space<vmem>>, vector<1x128xf32>
      %dot_general3A_37 = arith.constant dense<0.000000e+00> : vector<1x128xf32>
      %dot_general3A_38 = tpu.matmul %get3A_36, %get3A_1, %dot_general3A_37 {dimension_numbers = #tpu.dot_dimension_numbers<[1], [0], [0], [1], [0, 0, 1, 1], [], []>, precision = #tpu.contract_precision<fp32>, transpose_lhs_hint = false} : vector<1x128xf32>, vector<128x128xf32>, vector<1x128xf32> -> vector<1x128xf32>
      %get3A_39 = arith.constant 0 : index
      %get3A_40 = arith.constant 0 : index
      %get3A_41 = vector.load %arg6[%get3A_39, %get3A_40] : memref<1x128xf32, #tpu.memory_space<vmem>>, vector<1x128xf32>
      %add3A_42 = arith.addf %dot_general3A_38, %get3A_41 : vector<1x128xf32>
      %swap3A_43 = arith.constant 0 : index
      %swap3A_44 = arith.constant 0 : index
      %swap3A_45 = vector.load %arg10[%swap3A_43, %swap3A_44] : memref<1x128xf32, #tpu.memory_space<vmem>>, vector<1x128xf32>
      tpu.vector_store %arg10[%swap3A_43, %swap3A_44], %add3A_42 {strides = array<i32>} : memref<1x128xf32, #tpu.memory_space<vmem>>, vector<1x128xf32>,
    } else {
    }
    %get3A_4 = arith.constant 128 : index
    %get3A_5 = arith.constant 0 : index
    %get3A_6 = vector.load %arg5[%get3A_4, %get3A_5] : memref<256x128xf32, #tpu.memory_space<vmem>>, vector<128x128xf32>
    %get3A_7 = arith.constant 0 : index
    %get3A_8 = arith.constant 0 : index
    %get3A_9 = vector.load %arg1[%get3A_7, %get3A_8] : memref<7x12800xf32, #tpu.memory_space<vmem>>, vector<7x12800xf32>
    %get3A_10 = arith.constant 0 : index
    %get3A_11 = arith.constant 0 : index
    %get3A_12 = vector.load %arg9[%get3A_10, %get3A_11] : memref<8x128xf32, #tpu.memory_space<vmem>>, vector<7x128xf32>
    %dot_general3A = arith.constant dense<0.000000e+00> : vector<12800x128xf32>
    %dot_general3A_13 = tpu.matmul %get3A_9, %get3A_12, %dot_general3A {dimension_numbers = #tpu.dot_dimension_numbers<[0], [0], [1], [1], [0, 1, 1, 1], [], []>, transpose_lhs_hint = false} : vector<7x12800xf32>, vector<7x128xf32>, vector<12800x128xf32> -> vector<12800x128xf32>
    %get3A_14 = arith.constant 0 : index
    %get3A_15 = arith.constant 0 : index
    %get3A_16 = vector.load %arg2[%get3A_14, %get3A_15] : memref<12800x128xf32, #tpu.memory_space<vmem>>, vector<12800x128xf32>
    %dot_general3A_17 = arith.constant dense<0.000000e+00> : vector<12800x128xf32>
    %dot_general3A_18 = tpu.matmul %get3A_16, %get3A_6, %dot_general3A_17 {dimension_numbers = #tpu.dot_dimension_numbers<[1], [0], [0], [1], [0, 0, 1, 1], [], []>, transpose_lhs_hint = false} : vector<12800x128xf32>, vector<128x128xf32>, vector<12800x128xf32> -> vector<12800x128xf32>
    %add3A = arith.addf %dot_general3A_13, %dot_general3A_18 : vector<12800x128xf32>
    %get3A_19 = arith.constant 0 : index
    %get3A_20 = arith.constant 0 : index
    %get3A_21 = vector.load %arg10[%get3A_19, %get3A_20] : memref<1x128xf32, #tpu.memory_space<vmem>>, vector<1x128xf32>
    %add3A_22 = vector.broadcast %get3A_21 : vector<1x128xf32> to vector<12800x128xf32>
    %add3A_23 = arith.addf %add3A, %add3A_22 : vector<12800x128xf32>
    %swap3A = arith.constant 0 : index
    %swap3A_24 = arith.constant 0 : index
    %swap3A_25 = vector.load %arg8[%swap3A, %swap3A_24] : memref<12800x128xf32, #tpu.memory_space<vmem>>, vector<12800x128xf32>
    tpu.vector_store %arg8[%swap3A, %swap3A_24], %add3A_23 {strides = array<i32>} : memref<12800x128xf32, #tpu.memory_space<vmem>>, vector<12800x128xf32>,
    return
  }
  func.func @transform_0(%arg0: i32) -> (i32, i32) {
    %add3A = arith.constant 8 : i32
    %add3A_0 = arith.addi %add3A, %arg0 : i32
    %c0_i32 = arith.constant 0 : i32
    %c0_i32_1 = arith.constant 0 : i32
    return %c0_i32, %add3A_0 : i32, i32
  }
  func.func @transform_1(%arg0: i32) -> (i32, i32) {
    %c0_i32 = arith.constant 0 : i32
    %c0_i32_0 = arith.constant 0 : i32
    return %arg0, %c0_i32 : i32, i32
  }
  func.func @transform_2(%arg0: i32) -> (i32, i32) {
    %c0_i32 = arith.constant 0 : i32
    %c0_i32_0 = arith.constant 0 : i32
    %c0_i32_1 = arith.constant 0 : i32
    return %c0_i32, %c0_i32_0 : i32, i32
  }
  func.func @transform_3(%arg0: i32) -> (i32, i32) {
    %c0_i32 = arith.constant 0 : i32
    %c0_i32_0 = arith.constant 0 : i32
    %c0_i32_1 = arith.constant 0 : i32
    return %c0_i32, %c0_i32_0 : i32, i32
  }
  func.func @transform_4(%arg0: i32) -> (i32, i32) {
    %c0_i32 = arith.constant 0 : i32
    %c0_i32_0 = arith.constant 0 : i32
    %c0_i32_1 = arith.constant 0 : i32
    return %c0_i32, %c0_i32_0 : i32, i32
  }
  func.func @transform_5(%arg0: i32) -> (i32, i32) {
    %c0_i32 = arith.constant 0 : i32
    %c0_i32_0 = arith.constant 0 : i32
    %c0_i32_1 = arith.constant 0 : i32
    return %c0_i32, %c0_i32_0 : i32, i32
  }
  func.func @transform_7(%arg0: i32) -> (i32, i32) {
    %add3A = arith.constant 8 : i32
    %add3A_0 = arith.addi %add3A, %arg0 : i32
    %c0_i32 = arith.constant 0 : i32
    %c0_i32_1 = arith.constant 0 : i32
    return %add3A_0, %c0_i32 : i32, i32
  }
}

</mosaic_0001>

<sc_bundles>
// kernel: kernel.6.cloned.1.call-start
scs
__scs_entry_jumppad:
0x0: {  	(pc) =	sbr.rel $0x88, $3  }
0x1: {  	(tag) =	ssettag $0x0;
	lr =	simm.s32 $0x1  }
0x2: {  	[smem:$0x3F9B] =	sst lr;
	_ =	strace $0xD0000000  }
0x3: {  	_ = 	snop  }
0x4: {  	_ = 	snop  }
0x5: {  	_ = 	snop  }
0x6: {  	_ = 	snop  }
0x7: {  	_ = 	snop  }
__scs_overlays_trampoline_lowered:
0x8: {  	[smem:$0x3FAA] =	sst s0  }
0x9: {  	[smem:$0x3FAB] =	sst s1  }
0xa: {  	[smem:$0x3FAC] =	sst s2  }
0xb: {  	[smem:$0x3FAD] =	sst s3  }
0xc: {  	[smem:$0x3FAE] =	sst s4  }
0xd: {  	[smem:$0x3FAF] =	sst s5  }
0xe: {  	[smem:$0x3FB0] =	sst s6  }
0xf: {  	[smem:$0x3FB1] =	sst s7  }
0x10: {  	[smem:$0x3FB2] =	sst s8  }
0x11: {  	[smem:$0x3FB3] =	sst s9;
	s0 =	simm.s32 @!p0 $0x0  }
0x12: {  	s1 =	sld [smem:$0x3F99];
	s0 =	simm.s32 @p0 $0x1  }
0x13: {  	[smem:$0x3FB4] =	sst s0;
	s0 =	simm.s32 @!p1 $0x0  }
0x14: {  	s2 =	sld [smem:$0x3F98];
	s0 =	simm.s32 @p1 $0x1  }
0x15: {  	[smem:$0x3FB5] =	sst s0;
	s0 =	simm.s32 @!p2 $0x0  }
0x16: {  	s3 =	sld [smem:$0x3FDB];
	s0 =	simm.s32 @p2 $0x1  }
0x17: {  	s4 =	simm.s32 $0x1BF5;
	[smem:$0x3FB7] =	sst s0  }
0x18: {  	s0 =	sld [smem:$0x3F9A];
	_ =	swait.ge [sflag:s4], $0x0  }
0x19: {  	s7 =	sld [smem:$0x3F9B]  }
0x1a: {  	s8 =	sadd.s32 $0xFFFFE003, lr  }
0x1b: {  	s9 =	sadd.s32 $0xFFFFFEF7, lr;
	s5 =	simm.s32 $0xFFFFFFFF;
	p2 =	slt.u32 s8, $0xFFFFF086  }
0x1c: {  	p1 =	slt.u32 s9, $0xF7A;
	s5 =	simm.s32 @!p2 $0x0  }
0x1d: {  	s5 =	simm.s32 @p1 $0x1;
	p0 =	seq.s32 s7, s2  }
0x1e: {  	s7 =	smul.u32 @!p0 $0xF7A, s2;
	p2 =	seq.s32 @!p0 s5, $0x0  }
0x1f: {  	s9 =	smul.u32 $0xF7A, s1;
	s8 =	simm.s32 @!p0 $0x1BF5;
	p2 =	por !p2, p0  }
0x20: {  	[sflag:s8] =	ssyncset.s32 @!p0 $0xFFFFF086;
	s6 =	sadd.s32 @!p0 s3, s7;
	s7 =	simm.s32 @!p0 $0x108  }
0x21: {  	s3 =	sadd.s32 s3, s9;
	s6 =	sadd.s32 @!p0 $0x88, s6;
	s7 =	simm.s32 @p2 $0x1082  }
0x22: {  	[simem:s7], [sflag:s8] =	dma.local @!p0 [hbm:s6], $0xF7A  }
0x23: {  	s9 =	sor.u32 $0xD0000000, s2;
	s6 =	simm.s32 $0x108;
	_ =	swait.ge @!p0 [sflag:s8], $0x0  }
0x24: {  	s3 =	sadd.s32 $0x88, s3;
	s6 =	simm.s32 @!p1 $0x1082;
	[sflag:s4] =	ssyncset.s32 $0xFFFFF086  }
0x25: {  	[simem:s6], [sflag:s4] =	dma.local [hbm:s3], $0xF7A  }
0x26: {  	[smem:$0x3F9B] =	sst s1;
	(tag) =	ssettag s2;
	_ =	strace s9  }
0x27: {  	s1 =	sld [smem:$0x3FAB]  }
0x28: {  	s2 =	sld [smem:$0x3FAC]  }
0x29: {  	s4 =	sld [smem:$0x3FAE]  }
0x2a: {  	p0 =	seq.s32 s5, $0x0;
	s5 =	sld [smem:$0x3FAF]  }
0x2b: {  	s6 =	sld [smem:$0x3FB0]  }
0x2c: {  	s7 =	sld [smem:$0x3FB1]  }
0x2d: {  	s3 =	simm.s32 $0x108;
	s8 =	sld [smem:$0x3FB2]  }
0x2e: {  	s3 =	simm.s32 @!p0 $0x1082;
	s9 =	sld [smem:$0x3FB3]  }
0x2f: {  	lr =	sadd.s32 s0, s3;
	s0 =	sld [smem:$0x3FAA]  }
0x30: {  	s3 =	sld [smem:$0x3FAD]  }
0x31: {  	[smem:$0x3FB6] =	sst s10  }
0x32: {  	s10 =	sld [smem:$0x3FB4];
	_ =	sdelay $0x3  }
0x33: {  	p0 =	seq.s32 s10, $0x1;
	s10 =	sld [smem:$0x3FB6];
	_ =	sdelay $0x3  }
0x34: {  	[smem:$0x3FB6] =	sst s10  }
0x35: {  	s10 =	sld [smem:$0x3FB5];
	_ =	sdelay $0x3  }
0x36: {  	p1 =	seq.s32 s10, $0x1;
	s10 =	sld [smem:$0x3FB6];
	_ =	sdelay $0x3  }
0x37: {  	[smem:$0x3FB6] =	sst s10  }
0x38: {  	s10 =	sld [smem:$0x3FB7]  }
0x39: {  	_ = 	snop;
	(pc) =	sbr.ind lr, $3  }
0x3a: {  	_ = 	snop  }
0x3b: {  	_ = 	snop  }
0x3c: {  	p2 =	seq.s32 s10, $0x1;
	s10 =	sld [smem:$0x3FB6]  }
0x3d: {  	_ =	shalt  }
0x3e: {  	_ =	shalt  }
0x3f: {  	_ =	shalt  }
0x40: {  	_ =	shalt  }
0x41: {  	_ =	shalt  }
0x42: {  	_ =	shalt  }
0x43: {  	_ =	shalt  }
0x44: {  	_ =	shalt  }
0x45: {  	_ =	shalt  }
0x46: {  	_ =	shalt  }
0x47: {  	_ =	shalt  }
0x48: {  	_ =	shalt  }
0x49: {  	_ =	shalt  }
0x4a: {  	_ =	shalt  }
0x4b: {  	_ =	shalt  }
0x4c: {  	_ =	shalt  }
0x4d: {  	_ =	shalt  }
0x4e: {  	_ =	shalt  }
0x4f: {  	_ =	shalt  }
0x50: {  	_ =	shalt  }
0x51: {  	_ =	shalt  }
0x52: {  	_ =	shalt  }
0x53: {  	_ =	shalt  }
0x54: {  	_ =	shalt  }
0x55: {  	_ =	shalt  }
0x56: {  	_ =	shalt  }
0x57: {  	_ =	shalt  }
0x58: {  	_ =	shalt  }
0x59: {  	_ =	shalt  }
0x5a: {  	_ =	shalt  }
0x5b: {  	_ =	shalt  }
0x5c: {  	_ =	shalt  }
0x5d: {  	_ =	shalt  }
0x5e: {  	_ =	shalt  }
0x5f: {  	_ =	shalt  }
0x60: {  	_ =	shalt  }
0x61: {  	_ =	shalt  }
0x62: {  	_ =	shalt  }
0x63: {  	_ =	shalt  }
0x64: {  	_ =	shalt  }
0x65: {  	_ =	shalt  }
0x66: {  	_ =	shalt  }
0x67: {  	_ =	shalt  }
0x68: {  	_ =	shalt  }
0x69: {  	_ =	shalt  }
0x6a: {  	_ =	shalt  }
0x6b: {  	_ =	shalt  }
0x6c: {  	_ =	shalt  }
0x6d: {  	_ =	shalt  }
0x6e: {  	_ =	shalt  }
0x6f: {  	_ =	shalt  }
0x70: {  	_ =	shalt  }
0x71: {  	_ =	shalt  }
0x72: {  	_ =	shalt  }
0x73: {  	_ =	shalt  }
0x74: {  	_ =	shalt  }
0x75: {  	_ =	shalt  }
0x76: {  	_ =	shalt  }
0x77: {  	_ =	shalt  }
0x78: {  	_ =	shalt  }
0x79: {  	_ =	shalt  }
0x7a: {  	_ =	shalt  }
0x7b: {  	_ =	shalt  }
0x7c: {  	_ =	shalt  }
0x7d: {  	_ =	shalt  }
0x7e: {  	_ =	shalt  }
0x7f: {  	_ =	shalt  }
0x80: {  	_ =	shalt  }
0x81: {  	_ =	shalt  }
0x82: {  	_ =	shalt  }
0x83: {  	_ =	shalt  }
0x84: {  	_ =	shalt  }
0x85: {  	_ =	shalt  }
0x86: {  	_ =	shalt  }
0x87: {  	_ =	shalt  }
.Lfunc_end0:
.L_simem_size_0:
called_computation_lowered:
.L_overlay_start_0:
0x88: {  	s2 =	sld [smem:$0x3FD9]  }
0x89: {  	s3 =	sld [smem:$0x3FFE];
	_ =	sdelay $0x1  }
0x8a: {  	s1 =	srdreg.scid  }
0x8b: {  	s0 =	sand.u32 $0x1, s1  }
0x8c: {  	s17 =	sshll.u32 s0, $0xA;
	s2 =	sadd.s32 s3, s2  }
0x8d: {  	s2 =	sadd.s32 s2, s17  }
0x8e: {  	[smem:$0x3FC2] =	sst s2  }
0x8f: {  	_ = 	snop  }
0x90: {  	s2 =	sld [smem:$0x3FC8];
	(tm) =	ssettm $0x1  }
0x91: {  	s18 =	sld [smem:$0x3FFB];
	_ =	sdelay $0x3  }
0x92: {  	_ =	strace s18  }
0x93: {  	s3 =	sld [smem:$0x3FFC];
	_ =	sdelay $0x3  }
0x94: {  	_ =	strace s3  }
0x95: {  	s3 =	sld [smem:$0x3FFD];
	_ =	sdelay $0x3  }
0x96: {  	_ =	strace s3  }
0x97: {  	_ =	strace $0x8FFFFFFF  }
0x98: {  	s19 =	sld [smem:$0x3FDB];
	_ =	sdelay $0x1  }
0x99: {  	s4 =	simm.s32 $_scs_section_size  }
0x9a: {  	s5 =	simm.s32 $_size__tile_overlayer_lowered;
	s6 =	simm.s32 $_tile_overlayer_lowered  }
0x9b: {  	s22 =	simm.s32 $0x1BFF;
	s21 =	sshll.u32 s6, $0x1;
	s3 =	sadd.s32 s4, s19  }
0x9c: {  	s7 =	simm.s32 $0x0;
	s20 =	sshll.u32 s5, $0x1;
	s5 =	sadd.s32 s21, s3  }
0x9d: {  	[timem:s7], [sflag:s22] =	dma.local [hbm:s5], s20  }
0x9e: {  	_ =	swait.ge [sflag:s22], s20  }
0x9f: {  	s4 =	ssub.s32 $0x0, s20;
	[sflag:s22] =	ssyncset.done $0x0  }
0xa0: {  	[sflag:s22] =	ssyncadd.s32 s4;
	_ =	sdelay $0x1  }
0xa1: {  	s23 =	simm.s32 $0x1B8B  }
0xa2: {  	_ =	swait.ge [sflag:s23], $0x1  }
0xa3: {  	[sflag:s23] =	ssyncset.done $0x0  }
0xa4: {  	s25 =	simm.s32 $0x1B8E;
	s24 =	sld [smem:$0x3FFE];
	[sflag:s23] =	ssyncadd.s32 $0xFFFFFFFF  }
0xa5: {  	s26 =	simm.s32 $execute0_lowered;
	[smem:$0x3FD2] =	sst s25  }
0xa6: {  	s5 =	sshll.u32 s26, $0x1;
	_ =	strace $0x80000046;
	[dreg:$0x1] =	wrdreg $0xFFFFFFFF  }
0xa7: {  	s28 =	simm.s32 $_size_execute0_lowered;
	s3 =	sadd.s32 s3, s5;
	[dreg:$0x0] =	wrdreg $0x0  }
0xa8: {  	s5 =	sshll.u32 s28, $0x1;
	[dreg:$0x2] =	wrdreg s3  }
0xa9: {  	[dreg:$0x3] =	wrdreg s5  }
0xaa: {  	[dreg:$0x4] =	wrdreg $0xC0  }
0xab: {  	_ =	task [dreg:s7], $0x5FFFF  }
0xac: {  	[dreg:$0x1] =	wrdreg $0xFFFFFFFF  }
0xad: {  	[dreg:$0x0] =	wrdreg $0x60  }
0xae: {  	[dreg:$0x2] =	wrdreg s2  }
0xaf: {  	[dreg:$0x3] =	wrdreg s24  }
0xb0: {  	[dreg:$0x4] =	wrdreg $0x9  }
0xb1: {  	_ =	task.clear_ibuf [dreg:s7], $0x5FFFF;
	_ =	strace $0x90000046  }
0xb2: {  	s29 =	simm.s32 $0x9;
	_ =	strace $0x80000048  }
0xb3: {  	_ =	swait.ge [sflag:s29], $0x1  }
0xb4: {  	[sflag:s29] =	ssyncadd.s32 $0xFFFFFFFF  }
0xb5: {  	_ =	strace $0x90000048  }
0xb6: {  	_ =	sfence  }
0xb7: {  	s30 =	sld [smem:$0x0];
	_ =	sdelay $0x2  }
0xb8: {  	s31 =	sshll.u32 s1, $0xD;
	s1 =	sshrl.u32 s1, $0x2  }
0xb9: {  	s3 =	sand.u32 $0x4000, s31;
	s1 =	sadd.s32 s1, s30  }
0xba: {  	s0 =	sor.u32 s3, s0;
	s1 =	sshll.u32 s1, $0x11  }
0xbb: {  	s0 =	sor.u32 s1, s0  }
0xbc: {  	s0 =	sadd.s32 $0x8F2B, s0  }
0xbd: {  	[sflag:s0] =	ssyncadd.remote.s32 $0x1  }
0xbe: {  	_ =	sfence.sel $0xFFFF  }
0xbf: {  	[dreg:$0x0] =	wrdreg $0xFFFFFFFF;
	(pc) =	sbr.abs _section_cstart, $3  }
0xc0: {  	[dreg:$0x1] =	wrdreg $0xFFFFFFFF  }
0xc1: {  	_ =	task.clear_ibuf [dreg:s7], $0x2FFFF;
	_ =	strace $0x9FFFFFFF  }
0xc2: {  	(tm) =	ssettm $0x7FFFFFFF  }
0xc3: {  	_ =	shalt  }
tec
execute0_lowered:
.L_overlay_start_1:
0x0: {  	(tag) =	ssettag $0x1  }
0x1: {  	s1 =	srdreg.scid;
	s0 =	stileid.u32  }
0x2: {  	s30 =	sand.u32 $0x1, s1;
	s26 =	sshll.u32 s0, $0x1  }
0x3: {  	s13 =	sor.u32 s30, s26  }
0x4: {  	s2 =	rddreg [dreg:$0x0];
	s28 =	smul.u32 $0xC80, s13  }
0x5: {  	s14 =	rddreg [dreg:$0x1];
	s3 =	simm.s32 $0x0  }
0x6: {  	[smem:$0x7FF] =	sst s3;
	s26 =	sadd.s32 $0x1400, s14;
	s4 =	sshrl.u32 s28, $0x3  }
0x7: {  	s5 =	simm.s32 $0x1;
	_ =	strace $0x80000047;
	s4 =	sadd.s32 s26, s4  }
0x8: {  	[tilespmem:s3], [sflag:$0x1] =	stream.linear.gather [hbm4b:s4+s3], $0x190, $0x38;
	[tilespmem:$0x19400] =	vst v63  }
0x9: {  	_ =	swait.ge [sflag:s5], $0x190  }
0xa: {  	s6 =	simm.s32 $0x190;
	s18 =	sadd.s32 $0x190, s28;
	[sflag:s5] =	ssyncset.done $0x0  }
0xb: {  	s7 =	simm.s32 $0x400;
	s8 =	sshrl.u32 s18, $0x3;
	[sflag:s5] =	ssyncadd.s32 $0xFFFFFE70  }
0xc: {  	[tilespmem:s7], [sflag:$0x3] =	stream.indirect.gather [hbm4b:s2+s6], $0x80, s3, s6, $0xb8;
	[tilespmem:$0x19400] =	vst v63  }
0xd: {  	s9 =	simm.s32 $0x200;
	s10 =	simm.s32 $0x3;
	s8 =	sadd.s32 s26, s8  }
0xe: {  	[tilespmem:s9], [sflag:$0x2] =	stream.linear.gather [hbm4b:s8+s3], $0x190, $0x38;
	[tilespmem:$0x19400] =	vst v63  }
0xf: {  	s21 =	sadd.s32 $0x320, s28;
	_ =	swait.ge [sflag:s10], $0xC800  }
0x10: {  	s11 =	sshrl.u32 s21, $0x3;
	[sflag:s10] =	ssyncset.done $0x0  }
0x11: {  	s12 =	simm.s32 $0x2;
	s11 =	sadd.s32 s26, s11;
	[sflag:s10] =	ssyncadd.s32 $0xFFFF3800  }
0x12: {  	[tilespmem:s3], [sflag:$0x1] =	stream.linear.gather [hbm4b:s11+s3], $0x190, $0x38;
	[tilespmem:$0x19400] =	vst v63  }
0x13: {  	_ =	swait.ge [sflag:s12], $0x190  }
0x14: {  	s31 =	sadd.s32 $0x7800, s14;
	[sflag:s12] =	ssyncset.done $0x0  }
0x15: {  	s0 =	smul.u32 $0xC800, s13;
	s13 =	simm.s32 $0xCC00;
	[sflag:s12] =	ssyncadd.s32 $0xFFFFFE70  }
0x16: {  	[tilespmem:s13], [sflag:$0x4] =	stream.indirect.gather [hbm4b:s2+s6], $0x80, s9, s6, $0xb8;
	[tilespmem:$0x19400] =	vst v63  }
0x17: {  	s15 =	simm.s32 $0x4;
	s14 =	sadd.s32 s31, s0  }
0x18: {  	[hbm4b:s14+s3] =	stream.linear.scatter [tilespmem:s7], [sflag:$0x5], $0xC800, $0x38;
	[tilespmem:$0x19400] =	vst v63  }
0x19: {  	_ =	swait.ge [sflag:s15], $0xC800  }
0x1a: {  	[sflag:s15] =	ssyncset.done $0x0  }
0x1b: {  	s16 =	simm.s32 $0x5;
	[sflag:s15] =	ssyncadd.s32 $0xFFFF3800  }
0x1c: {  	s23 =	sadd.s32 $0x4B0, s28;
	_ =	swait.ge [sflag:s16], $0xC800  }
0x1d: {  	s17 =	sshrl.u32 s23, $0x3;
	[sflag:s16] =	ssyncset.done $0x0  }
0x1e: {  	s17 =	sadd.s32 s26, s17;
	[sflag:s16] =	ssyncadd.s32 $0xFFFF3800  }
0x1f: {  	[tilespmem:s9], [sflag:$0x2] =	stream.linear.gather [hbm4b:s17+s3], $0x190, $0x38;
	[tilespmem:$0x19400] =	vst v63  }
0x20: {  	_ =	swait.ge [sflag:s5], $0x190  }
0x21: {  	[sflag:s5] =	ssyncset.done $0x0  }
0x22: {  	s18 =	sshll.u32 s18, $0x4;
	[sflag:s5] =	ssyncadd.s32 $0xFFFFFE70  }
0x23: {  	[tilespmem:s7], [sflag:$0x3] =	stream.indirect.gather [hbm4b:s2+s6], $0x80, s3, s6, $0xb8;
	[tilespmem:$0x19400] =	vst v63  }
0x24: {  	s18 =	sadd.s32 s31, s18  }
0x25: {  	[hbm4b:s18+s3] =	stream.linear.scatter [tilespmem:s13], [sflag:$0x6], $0xC800, $0x38;
	[tilespmem:$0x19400] =	vst v63  }
0x26: {  	_ =	swait.ge [sflag:s10], $0xC800  }
0x27: {  	[sflag:s10] =	ssyncset.done $0x0  }
0x28: {  	s19 =	simm.s32 $0x6;
	[sflag:s10] =	ssyncadd.s32 $0xFFFF3800  }
0x29: {  	s25 =	sadd.s32 $0x640, s28;
	_ =	swait.ge [sflag:s19], $0xC800  }
0x2a: {  	s20 =	sshrl.u32 s25, $0x3;
	[sflag:s19] =	ssyncset.done $0x0  }
0x2b: {  	s20 =	sadd.s32 s26, s20;
	[sflag:s19] =	ssyncadd.s32 $0xFFFF3800  }
0x2c: {  	[tilespmem:s3], [sflag:$0x1] =	stream.linear.gather [hbm4b:s20+s3], $0x190, $0x38;
	[tilespmem:$0x19400] =	vst v63  }
0x2d: {  	_ =	swait.ge [sflag:s12], $0x190  }
0x2e: {  	[sflag:s12] =	ssyncset.done $0x0  }
0x2f: {  	s21 =	sshll.u32 s21, $0x4;
	[sflag:s12] =	ssyncadd.s32 $0xFFFFFE70  }
0x30: {  	[tilespmem:s13], [sflag:$0x4] =	stream.indirect.gather [hbm4b:s2+s6], $0x80, s9, s6, $0xb8;
	[tilespmem:$0x19400] =	vst v63  }
0x31: {  	s21 =	sadd.s32 s31, s21  }
0x32: {  	[hbm4b:s21+s3] =	stream.linear.scatter [tilespmem:s7], [sflag:$0x5], $0xC800, $0x38;
	[tilespmem:$0x19400] =	vst v63  }
0x33: {  	_ =	swait.ge [sflag:s15], $0xC800  }
0x34: {  	[sflag:s15] =	ssyncset.done $0x0  }
0x35: {  	[sflag:s15] =	ssyncadd.s32 $0xFFFF3800  }
0x36: {  	s29 =	sadd.s32 $0x7D0, s28;
	_ =	swait.ge [sflag:s16], $0xC800  }
0x37: {  	s22 =	sshrl.u32 s29, $0x3;
	[sflag:s16] =	ssyncset.done $0x0  }
0x38: {  	s22 =	sadd.s32 s26, s22;
	[sflag:s16] =	ssyncadd.s32 $0xFFFF3800  }
0x39: {  	[tilespmem:s9], [sflag:$0x2] =	stream.linear.gather [hbm4b:s22+s3], $0x190, $0x38;
	[tilespmem:$0x19400] =	vst v63  }
0x3a: {  	_ =	swait.ge [sflag:s5], $0x190  }
0x3b: {  	[sflag:s5] =	ssyncset.done $0x0  }
0x3c: {  	s23 =	sshll.u32 s23, $0x4;
	[sflag:s5] =	ssyncadd.s32 $0xFFFFFE70  }
0x3d: {  	[tilespmem:s7], [sflag:$0x3] =	stream.indirect.gather [hbm4b:s2+s6], $0x80, s3, s6, $0xb8;
	[tilespmem:$0x19400] =	vst v63  }
0x3e: {  	s23 =	sadd.s32 s31, s23  }
0x3f: {  	[hbm4b:s23+s3] =	stream.linear.scatter [tilespmem:s13], [sflag:$0x6], $0xC800, $0x38;
	[tilespmem:$0x19400] =	vst v63  }
0x40: {  	_ =	swait.ge [sflag:s10], $0xC800  }
0x41: {  	[sflag:s10] =	ssyncset.done $0x0  }
0x42: {  	[sflag:s10] =	ssyncadd.s32 $0xFFFF3800  }
0x43: {  	s1 =	sadd.s32 $0x960, s28;
	_ =	swait.ge [sflag:s19], $0xC800  }
0x44: {  	s24 =	sshrl.u32 s1, $0x3;
	[sflag:s19] =	ssyncset.done $0x0  }
0x45: {  	s24 =	sadd.s32 s26, s24;
	[sflag:s19] =	ssyncadd.s32 $0xFFFF3800  }
0x46: {  	[tilespmem:s3], [sflag:$0x1] =	stream.linear.gather [hbm4b:s24+s3], $0x190, $0x38;
	[tilespmem:$0x19400] =	vst v63  }
0x47: {  	_ =	swait.ge [sflag:s12], $0x190  }
0x48: {  	[sflag:s12] =	ssyncset.done $0x0  }
0x49: {  	s25 =	sshll.u32 s25, $0x4;
	[sflag:s12] =	ssyncadd.s32 $0xFFFFFE70  }
0x4a: {  	[tilespmem:s13], [sflag:$0x4] =	stream.indirect.gather [hbm4b:s2+s6], $0x80, s9, s6, $0xb8;
	[tilespmem:$0x19400] =	vst v63  }
0x4b: {  	s25 =	sadd.s32 s31, s25  }
0x4c: {  	[hbm4b:s25+s3] =	stream.linear.scatter [tilespmem:s7], [sflag:$0x5], $0xC800, $0x38;
	[tilespmem:$0x19400] =	vst v63  }
0x4d: {  	_ =	swait.ge [sflag:s15], $0xC800  }
0x4e: {  	[sflag:s15] =	ssyncset.done $0x0  }
0x4f: {  	[sflag:s15] =	ssyncadd.s32 $0xFFFF3800  }
0x50: {  	s0 =	sadd.s32 $0xAF0, s28;
	_ =	swait.ge [sflag:s16], $0xC800  }
0x51: {  	s28 =	sshrl.u32 s0, $0x3;
	[sflag:s16] =	ssyncset.done $0x0  }
0x52: {  	s26 =	sadd.s32 s26, s28;
	[sflag:s16] =	ssyncadd.s32 $0xFFFF3800  }
0x53: {  	[tilespmem:s9], [sflag:$0x2] =	stream.linear.gather [hbm4b:s26+s3], $0x190, $0x38;
	[tilespmem:$0x19400] =	vst v63  }
0x54: {  	_ =	swait.ge [sflag:s5], $0x190  }
0x55: {  	[sflag:s5] =	ssyncset.done $0x0  }
0x56: {  	s28 =	sshll.u32 s29, $0x4;
	[sflag:s5] =	ssyncadd.s32 $0xFFFFFE70  }
0x57: {  	[tilespmem:s7], [sflag:$0x3] =	stream.indirect.gather [hbm4b:s2+s6], $0x80, s3, s6, $0xb8;
	[tilespmem:$0x19400] =	vst v63  }
0x58: {  	s28 =	sadd.s32 s31, s28  }
0x59: {  	[hbm4b:s28+s3] =	stream.linear.scatter [tilespmem:s13], [sflag:$0x6], $0xC800, $0x38;
	[tilespmem:$0x19400] =	vst v63  }
0x5a: {  	_ =	swait.ge [sflag:s10], $0xC800  }
0x5b: {  	[sflag:s10] =	ssyncset.done $0x0  }
0x5c: {  	[sflag:s10] =	ssyncadd.s32 $0xFFFF3800  }
0x5d: {  	_ =	swait.ge [sflag:s19], $0xC800  }
0x5e: {  	[sflag:s19] =	ssyncset.done $0x0  }
0x5f: {  	[sflag:s19] =	ssyncadd.s32 $0xFFFF3800  }
0x60: {  	_ =	swait.ge [sflag:s12], $0x190  }
0x61: {  	[sflag:s12] =	ssyncset.done $0x0  }
0x62: {  	s1 =	sshll.u32 s1, $0x4;
	[sflag:s12] =	ssyncadd.s32 $0xFFFFFE70  }
0x63: {  	[tilespmem:s13], [sflag:$0x4] =	stream.indirect.gather [hbm4b:s2+s6], $0x80, s9, s6, $0xb8;
	[tilespmem:$0x19400] =	vst v63  }
0x64: {  	s29 =	sadd.s32 s31, s1;
	s1 =	ssub.s32 $0x2, s30  }
0x65: {  	[hbm4b:s29+s3] =	stream.linear.scatter [tilespmem:s7], [sflag:$0x5], $0xC800, $0x38;
	[tilespmem:$0x19400] =	vst v63  }
0x66: {  	s30 =	sshrl.u32 s1, $0x1;
	_ =	swait.ge [sflag:s15], $0xC800  }
0x67: {  	s1 =	ssub.s32 s1, s30;
	[sflag:s15] =	ssyncset.done $0x0  }
0x68: {  	s1 =	smax.u32 s1, $0x1;
	[sflag:s15] =	ssyncadd.s32 $0xFFFF3800  }
0x69: {  	p0 =	sne.s32 s1, $0x1;
	_ =	swait.ge [sflag:s16], $0xC800  }
.Ltmp0:
0x6a: {  	s0 =	sshll.u32 s0, $0x4;
	[sflag:s16] =	ssyncset.done $0x0;
	(pc) =	sbr.rel @!p0 .LBB2_2-.Ltmp0, $4  }
0x6b: {  	s30 =	sadd.s32 s31, s0;
	[sflag:s16] =	ssyncadd.s32 $0xFFFF3800  }
0x6c: {  	[hbm4b:s30+s3] =	stream.linear.scatter [tilespmem:s13], [sflag:$0x6], $0xC800, $0x38;
	[tilespmem:$0x19400] =	vst v63  }
0x6d: {  	_ =	swait.ge [sflag:s19], $0xC800  }
0x6e: {  	s31 =	sadd.s32 $0xFFFFFFFF, s1;
	[sflag:s19] =	ssyncset.done $0x0  }
.LBB2_1:
0x6f: {  	p0 =	sne.s32 s31, $0x1;
	s31 =	sadd.s32 $0xFFFFFFFF, s31;
	[sflag:s19] =	ssyncadd.s32 $0xFFFF3800  }
0x70: {  	[tilespmem:s3], [sflag:$0x1] =	stream.linear.gather [hbm4b:s4+s3], $0x190, $0x38;
	[tilespmem:$0x19400] =	vst v63  }
0x71: {  	_ =	swait.ge [sflag:s5], $0x190  }
0x72: {  	[sflag:s5] =	ssyncset.done $0x0  }
0x73: {  	[sflag:s5] =	ssyncadd.s32 $0xFFFFFE70  }
0x74: {  	[tilespmem:s7], [sflag:$0x3] =	stream.indirect.gather [hbm4b:s2+s6], $0x80, s3, s6, $0xb8;
	[tilespmem:$0x19400] =	vst v63  }
0x75: {  	_ = 	snop  }
0x76: {  	[tilespmem:s9], [sflag:$0x2] =	stream.linear.gather [hbm4b:s8+s3], $0x190, $0x38;
	[tilespmem:$0x19400] =	vst v63  }
0x77: {  	_ =	swait.ge [sflag:s10], $0xC800  }
0x78: {  	[sflag:s10] =	ssyncset.done $0x0  }
0x79: {  	[sflag:s10] =	ssyncadd.s32 $0xFFFF3800  }
0x7a: {  	[tilespmem:s3], [sflag:$0x1] =	stream.linear.gather [hbm4b:s11+s3], $0x190, $0x38;
	[tilespmem:$0x19400] =	vst v63  }
0x7b: {  	_ =	swait.ge [sflag:s12], $0x190  }
0x7c: {  	[sflag:s12] =	ssyncset.done $0x0  }
0x7d: {  	[sflag:s12] =	ssyncadd.s32 $0xFFFFFE70  }
0x7e: {  	[tilespmem:s13], [sflag:$0x4] =	stream.indirect.gather [hbm4b:s2+s6], $0x80, s9, s6, $0xb8;
	[tilespmem:$0x19400] =	vst v63  }
0x7f: {  	_ = 	snop  }
0x80: {  	[hbm4b:s14+s3] =	stream.linear.scatter [tilespmem:s7], [sflag:$0x5], $0xC800, $0x38;
	[tilespmem:$0x19400] =	vst v63  }
0x81: {  	_ =	swait.ge [sflag:s15], $0xC800  }
0x82: {  	[sflag:s15] =	ssyncset.done $0x0  }
0x83: {  	[sflag:s15] =	ssyncadd.s32 $0xFFFF3800  }
0x84: {  	_ =	swait.ge [sflag:s16], $0xC800  }
0x85: {  	[sflag:s16] =	ssyncset.done $0x0  }
0x86: {  	[sflag:s16] =	ssyncadd.s32 $0xFFFF3800  }
0x87: {  	[tilespmem:s9], [sflag:$0x2] =	stream.linear.gather [hbm4b:s17+s3], $0x190, $0x38;
	[tilespmem:$0x19400] =	vst v63  }
0x88: {  	_ =	swait.ge [sflag:s5], $0x190  }
0x89: {  	[sflag:s5] =	ssyncset.done $0x0  }
0x8a: {  	[sflag:s5] =	ssyncadd.s32 $0xFFFFFE70  }
0x8b: {  	[tilespmem:s7], [sflag:$0x3] =	stream.indirect.gather [hbm4b:s2+s6], $0x80, s3, s6, $0xb8;
	[tilespmem:$0x19400] =	vst v63  }
0x8c: {  	_ = 	snop  }
0x8d: {  	[hbm4b:s18+s3] =	stream.linear.scatter [tilespmem:s13], [sflag:$0x6], $0xC800, $0x38;
	[tilespmem:$0x19400] =	vst v63  }
0x8e: {  	_ =	swait.ge [sflag:s10], $0xC800  }
0x8f: {  	[sflag:s10] =	ssyncset.done $0x0  }
0x90: {  	[sflag:s10] =	ssyncadd.s32 $0xFFFF3800  }
0x91: {  	_ =	swait.ge [sflag:s19], $0xC800  }
0x92: {  	[sflag:s19] =	ssyncset.done $0x0  }
0x93: {  	[sflag:s19] =	ssyncadd.s32 $0xFFFF3800  }
0x94: {  	[tilespmem:s3], [sflag:$0x1] =	stream.linear.gather [hbm4b:s20+s3], $0x190, $0x38;
	[tilespmem:$0x19400] =	vst v63  }
0x95: {  	_ =	swait.ge [sflag:s12], $0x190  }
0x96: {  	[sflag:s12] =	ssyncset.done $0x0  }
0x97: {  	[sflag:s12] =	ssyncadd.s32 $0xFFFFFE70  }
0x98: {  	[tilespmem:s13], [sflag:$0x4] =	stream.indirect.gather [hbm4b:s2+s6], $0x80, s9, s6, $0xb8;
	[tilespmem:$0x19400] =	vst v63  }
0x99: {  	_ = 	snop  }
0x9a: {  	[hbm4b:s21+s3] =	stream.linear.scatter [tilespmem:s7], [sflag:$0x5], $0xC800, $0x38;
	[tilespmem:$0x19400] =	vst v63  }
0x9b: {  	_ =	swait.ge [sflag:s15], $0xC800  }
0x9c: {  	[sflag:s15] =	ssyncset.done $0x0  }
0x9d: {  	[sflag:s15] =	ssyncadd.s32 $0xFFFF3800  }
0x9e: {  	_ =	swait.ge [sflag:s16], $0xC800  }
0x9f: {  	[sflag:s16] =	ssyncset.done $0x0  }
0xa0: {  	[sflag:s16] =	ssyncadd.s32 $0xFFFF3800  }
0xa1: {  	[tilespmem:s9], [sflag:$0x2] =	stream.linear.gather [hbm4b:s22+s3], $0x190, $0x38;
	[tilespmem:$0x19400] =	vst v63  }
0xa2: {  	_ =	swait.ge [sflag:s5], $0x190  }
0xa3: {  	[sflag:s5] =	ssyncset.done $0x0  }
0xa4: {  	[sflag:s5] =	ssyncadd.s32 $0xFFFFFE70  }
0xa5: {  	[tilespmem:s7], [sflag:$0x3] =	stream.indirect.gather [hbm4b:s2+s6], $0x80, s3, s6, $0xb8;
	[tilespmem:$0x19400] =	vst v63  }
0xa6: {  	_ = 	snop  }
0xa7: {  	[hbm4b:s23+s3] =	stream.linear.scatter [tilespmem:s13], [sflag:$0x6], $0xC800, $0x38;
	[tilespmem:$0x19400] =	vst v63  }
0xa8: {  	_ =	swait.ge [sflag:s10], $0xC800  }
0xa9: {  	[sflag:s10] =	ssyncset.done $0x0  }
0xaa: {  	[sflag:s10] =	ssyncadd.s32 $0xFFFF3800  }
0xab: {  	_ =	swait.ge [sflag:s19], $0xC800  }
0xac: {  	[sflag:s19] =	ssyncset.done $0x0  }
0xad: {  	[sflag:s19] =	ssyncadd.s32 $0xFFFF3800  }
0xae: {  	[tilespmem:s3], [sflag:$0x1] =	stream.linear.gather [hbm4b:s24+s3], $0x190, $0x38;
	[tilespmem:$0x19400] =	vst v63  }
0xaf: {  	_ =	swait.ge [sflag:s12], $0x190  }
0xb0: {  	[sflag:s12] =	ssyncset.done $0x0  }
0xb1: {  	[sflag:s12] =	ssyncadd.s32 $0xFFFFFE70  }
0xb2: {  	[tilespmem:s13], [sflag:$0x4] =	stream.indirect.gather [hbm4b:s2+s6], $0x80, s9, s6, $0xb8;
	[tilespmem:$0x19400] =	vst v63  }
0xb3: {  	_ = 	snop  }
0xb4: {  	[hbm4b:s25+s3] =	stream.linear.scatter [tilespmem:s7], [sflag:$0x5], $0xC800, $0x38;
	[tilespmem:$0x19400] =	vst v63  }
0xb5: {  	_ =	swait.ge [sflag:s15], $0xC800  }
0xb6: {  	[sflag:s15] =	ssyncset.done $0x0  }
0xb7: {  	[sflag:s15] =	ssyncadd.s32 $0xFFFF3800  }
0xb8: {  	_ =	swait.ge [sflag:s16], $0xC800  }
0xb9: {  	[sflag:s16] =	ssyncset.done $0x0  }
0xba: {  	[sflag:s16] =	ssyncadd.s32 $0xFFFF3800  }
0xbb: {  	[tilespmem:s9], [sflag:$0x2] =	stream.linear.gather [hbm4b:s26+s3], $0x190, $0x38;
	[tilespmem:$0x19400] =	vst v63  }
0xbc: {  	_ =	swait.ge [sflag:s5], $0x190  }
0xbd: {  	[sflag:s5] =	ssyncset.done $0x0  }
0xbe: {  	[sflag:s5] =	ssyncadd.s32 $0xFFFFFE70  }
0xbf: {  	[tilespmem:s7], [sflag:$0x3] =	stream.indirect.gather [hbm4b:s2+s6], $0x80, s3, s6, $0xb8;
	[tilespmem:$0x19400] =	vst v63  }
0xc0: {  	_ = 	snop  }
0xc1: {  	[hbm4b:s28+s3] =	stream.linear.scatter [tilespmem:s13], [sflag:$0x6], $0xC800, $0x38;
	[tilespmem:$0x19400] =	vst v63  }
0xc2: {  	_ =	swait.ge [sflag:s10], $0xC800  }
0xc3: {  	[sflag:s10] =	ssyncset.done $0x0  }
0xc4: {  	[sflag:s10] =	ssyncadd.s32 $0xFFFF3800  }
0xc5: {  	_ =	swait.ge [sflag:s19], $0xC800  }
0xc6: {  	[sflag:s19] =	ssyncset.done $0x0  }
0xc7: {  	[sflag:s19] =	ssyncadd.s32 $0xFFFF3800  }
0xc8: {  	_ =	swait.ge [sflag:s12], $0x190  }
0xc9: {  	[sflag:s12] =	ssyncset.done $0x0  }
0xca: {  	[sflag:s12] =	ssyncadd.s32 $0xFFFFFE70  }
0xcb: {  	[tilespmem:s13], [sflag:$0x4] =	stream.indirect.gather [hbm4b:s2+s6], $0x80, s9, s6, $0xb8;
	[tilespmem:$0x19400] =	vst v63  }
0xcc: {  	_ = 	snop  }
0xcd: {  	[hbm4b:s29+s3] =	stream.linear.scatter [tilespmem:s7], [sflag:$0x5], $0xC800, $0x38;
	[tilespmem:$0x19400] =	vst v63  }
0xce: {  	_ =	swait.ge [sflag:s15], $0xC800  }
0xcf: {  	[sflag:s15] =	ssyncset.done $0x0  }
0xd0: {  	[sflag:s15] =	ssyncadd.s32 $0xFFFF3800  }
0xd1: {  	_ =	swait.ge [sflag:s16], $0xC800  }
.Ltmp1:
0xd2: {  	[sflag:s16] =	ssyncset.done $0x0;
	(pc) =	sbr.rel @p0 .LBB2_1-.Ltmp1, $4  }
0xd3: {  	[sflag:s16] =	ssyncadd.s32 $0xFFFF3800  }
0xd4: {  	[hbm4b:s30+s3] =	stream.linear.scatter [tilespmem:s13], [sflag:$0x6], $0xC800, $0x38;
	[tilespmem:$0x19400] =	vst v63  }
0xd5: {  	_ =	swait.ge [sflag:s19], $0xC800  }
0xd6: {  	[sflag:s19] =	ssyncset.done $0x0  }
.LBB2_2:
0xd7: {  	[sflag:s19] =	ssyncadd.s32 $0xFFFF3800  }
0xd8: {  	_ =	sfence.sel $0x180000  }
0xd9: {  	[bflag:$0x0] =	sbarrier.arrive $0xFFFF  }
0xda: {  	_ =	strace $0x90000047  }
0xdb: {  	s0 =	stileid.u32;
	[bflag:$0x2] =	sbarrier.arrive $0xFFFF  }
0xdc: {  	p0 =	sne.s32 s0, $0x0;
	s0 =	rddreg [dreg:$0x2]  }
0xdd: {  	s0 =	sadd.s32 @!p0 $0x100000, s0  }
0xde: {  	[sflag:s0] =	ssyncadd.tile.s32 @!p0 $0x1;
	_ =	shalt  }
.Lfunc_end2:
_tile_overlayer_lowered:
.L_overlay_start_2:
0xdf: {  	(tag) =	ssettag $0x2  }
0xe0: {  	s0 =	rddreg [dreg:$0x0];
	s2 =	stileid.u32  }
0xe1: {  	s1 =	rddreg [dreg:$0x1];
	p0 =	sne.s32 s2, $0x0  }
0xe2: {  	s3 =	rddreg [dreg:$0x2];
	[bflag:$0x3] =	sbarrier.arrive $0xFFFF;
	s2 =	simm.s32 @!p0 $0x1C07  }
0xe3: {  	[timem:s3], [sflag:s2] =	dma.local @!p0 [hbm:s0], s1  }
0xe4: {  	s0 =	simm.s32 @!p0 $0x7  }
0xe5: {  	_ =	swait.ge @!p0 [sflag:s0], s1  }
0xe6: {  	s1 =	ssub.s32 @!p0 $0x0, s1;
	[sflag:s0] =	ssyncset.done @!p0 $0x0  }
0xe7: {  	[sflag:s0] =	ssyncadd.s32 @!p0 s1  }
0xe8: {  	[bflag:$0x3] =	sbarrier.arrive $0xFFFF  }
0xe9: {  	_ =	shalt  }

// kernel: kernel.9.cloned.1.call-start
scs
__scs_entry_jumppad:
0x0: {  	(pc) =	sbr.rel $0x88, $3  }
0x1: {  	(tag) =	ssettag $0x0;
	lr =	simm.s32 $0x1  }
0x2: {  	[smem:$0x3F9B] =	sst lr;
	_ =	strace $0xD0000000  }
0x3: {  	_ = 	snop  }
0x4: {  	_ = 	snop  }
0x5: {  	_ = 	snop  }
0x6: {  	_ = 	snop  }
0x7: {  	_ = 	snop  }
__scs_overlays_trampoline_lowered:
0x8: {  	[smem:$0x3FAA] =	sst s0  }
0x9: {  	[smem:$0x3FAB] =	sst s1  }
0xa: {  	[smem:$0x3FAC] =	sst s2  }
0xb: {  	[smem:$0x3FAD] =	sst s3  }
0xc: {  	[smem:$0x3FAE] =	sst s4  }
0xd: {  	[smem:$0x3FAF] =	sst s5  }
0xe: {  	[smem:$0x3FB0] =	sst s6  }
0xf: {  	[smem:$0x3FB1] =	sst s7  }
0x10: {  	[smem:$0x3FB2] =	sst s8  }
0x11: {  	[smem:$0x3FB3] =	sst s9;
	s0 =	simm.s32 @!p0 $0x0  }
0x12: {  	s1 =	sld [smem:$0x3F99];
	s0 =	simm.s32 @p0 $0x1  }
0x13: {  	[smem:$0x3FB4] =	sst s0;
	s0 =	simm.s32 @!p1 $0x0  }
0x14: {  	s2 =	sld [smem:$0x3F98];
	s0 =	simm.s32 @p1 $0x1  }
0x15: {  	[smem:$0x3FB5] =	sst s0;
	s0 =	simm.s32 @!p2 $0x0  }
0x16: {  	s3 =	sld [smem:$0x3FDB];
	s0 =	simm.s32 @p2 $0x1  }
0x17: {  	s4 =	simm.s32 $0x1BF5;
	[smem:$0x3FB7] =	sst s0  }
0x18: {  	s0 =	sld [smem:$0x3F9A];
	_ =	swait.ge [sflag:s4], $0x0  }
0x19: {  	s7 =	sld [smem:$0x3F9B]  }
0x1a: {  	s8 =	sadd.s32 $0xFFFFE003, lr  }
0x1b: {  	s9 =	sadd.s32 $0xFFFFFEF7, lr;
	s5 =	simm.s32 $0xFFFFFFFF;
	p2 =	slt.u32 s8, $0xFFFFF086  }
0x1c: {  	p1 =	slt.u32 s9, $0xF7A;
	s5 =	simm.s32 @!p2 $0x0  }
0x1d: {  	s5 =	simm.s32 @p1 $0x1;
	p0 =	seq.s32 s7, s2  }
0x1e: {  	s7 =	smul.u32 @!p0 $0xF7A, s2;
	p2 =	seq.s32 @!p0 s5, $0x0  }
0x1f: {  	s9 =	smul.u32 $0xF7A, s1;
	s8 =	simm.s32 @!p0 $0x1BF5;
	p2 =	por !p2, p0  }
0x20: {  	[sflag:s8] =	ssyncset.s32 @!p0 $0xFFFFF086;
	s6 =	sadd.s32 @!p0 s3, s7;
	s7 =	simm.s32 @!p0 $0x108  }
0x21: {  	s3 =	sadd.s32 s3, s9;
	s6 =	sadd.s32 @!p0 $0x88, s6;
	s7 =	simm.s32 @p2 $0x1082  }
0x22: {  	[simem:s7], [sflag:s8] =	dma.local @!p0 [hbm:s6], $0xF7A  }
0x23: {  	s9 =	sor.u32 $0xD0000000, s2;
	s6 =	simm.s32 $0x108;
	_ =	swait.ge @!p0 [sflag:s8], $0x0  }
0x24: {  	s3 =	sadd.s32 $0x88, s3;
	s6 =	simm.s32 @!p1 $0x1082;
	[sflag:s4] =	ssyncset.s32 $0xFFFFF086  }
0x25: {  	[simem:s6], [sflag:s4] =	dma.local [hbm:s3], $0xF7A  }
0x26: {  	[smem:$0x3F9B] =	sst s1;
	(tag) =	ssettag s2;
	_ =	strace s9  }
0x27: {  	s1 =	sld [smem:$0x3FAB]  }
0x28: {  	s2 =	sld [smem:$0x3FAC]  }
0x29: {  	s4 =	sld [smem:$0x3FAE]  }
0x2a: {  	p0 =	seq.s32 s5, $0x0;
	s5 =	sld [smem:$0x3FAF]  }
0x2b: {  	s6 =	sld [smem:$0x3FB0]  }
0x2c: {  	s7 =	sld [smem:$0x3FB1]  }
0x2d: {  	s3 =	simm.s32 $0x108;
	s8 =	sld [smem:$0x3FB2]  }
0x2e: {  	s3 =	simm.s32 @!p0 $0x1082;
	s9 =	sld [smem:$0x3FB3]  }
0x2f: {  	lr =	sadd.s32 s0, s3;
	s0 =	sld [smem:$0x3FAA]  }
0x30: {  	s3 =	sld [smem:$0x3FAD]  }
0x31: {  	[smem:$0x3FB6] =	sst s10  }
0x32: {  	s10 =	sld [smem:$0x3FB4];
	_ =	sdelay $0x3  }
0x33: {  	p0 =	seq.s32 s10, $0x1;
	s10 =	sld [smem:$0x3FB6];
	_ =	sdelay $0x3  }
0x34: {  	[smem:$0x3FB6] =	sst s10  }
0x35: {  	s10 =	sld [smem:$0x3FB5];
	_ =	sdelay $0x3  }
0x36: {  	p1 =	seq.s32 s10, $0x1;
	s10 =	sld [smem:$0x3FB6];
	_ =	sdelay $0x3  }
0x37: {  	[smem:$0x3FB6] =	sst s10  }
0x38: {  	s10 =	sld [smem:$0x3FB7]  }
0x39: {  	_ = 	snop;
	(pc) =	sbr.ind lr, $3  }
0x3a: {  	_ = 	snop  }
0x3b: {  	_ = 	snop  }
0x3c: {  	p2 =	seq.s32 s10, $0x1;
	s10 =	sld [smem:$0x3FB6]  }
0x3d: {  	_ =	shalt  }
0x3e: {  	_ =	shalt  }
0x3f: {  	_ =	shalt  }
0x40: {  	_ =	shalt  }
0x41: {  	_ =	shalt  }
0x42: {  	_ =	shalt  }
0x43: {  	_ =	shalt  }
0x44: {  	_ =	shalt  }
0x45: {  	_ =	shalt  }
0x46: {  	_ =	shalt  }
0x47: {  	_ =	shalt  }
0x48: {  	_ =	shalt  }
0x49: {  	_ =	shalt  }
0x4a: {  	_ =	shalt  }
0x4b: {  	_ =	shalt  }
0x4c: {  	_ =	shalt  }
0x4d: {  	_ =	shalt  }
0x4e: {  	_ =	shalt  }
0x4f: {  	_ =	shalt  }
0x50: {  	_ =	shalt  }
0x51: {  	_ =	shalt  }
0x52: {  	_ =	shalt  }
0x53: {  	_ =	shalt  }
0x54: {  	_ =	shalt  }
0x55: {  	_ =	shalt  }
0x56: {  	_ =	shalt  }
0x57: {  	_ =	shalt  }
0x58: {  	_ =	shalt  }
0x59: {  	_ =	shalt  }
0x5a: {  	_ =	shalt  }
0x5b: {  	_ =	shalt  }
0x5c: {  	_ =	shalt  }
0x5d: {  	_ =	shalt  }
0x5e: {  	_ =	shalt  }
0x5f: {  	_ =	shalt  }
0x60: {  	_ =	shalt  }
0x61: {  	_ =	shalt  }
0x62: {  	_ =	shalt  }
0x63: {  	_ =	shalt  }
0x64: {  	_ =	shalt  }
0x65: {  	_ =	shalt  }
0x66: {  	_ =	shalt  }
0x67: {  	_ =	shalt  }
0x68: {  	_ =	shalt  }
0x69: {  	_ =	shalt  }
0x6a: {  	_ =	shalt  }
0x6b: {  	_ =	shalt  }
0x6c: {  	_ =	shalt  }
0x6d: {  	_ =	shalt  }
0x6e: {  	_ =	shalt  }
0x6f: {  	_ =	shalt  }
0x70: {  	_ =	shalt  }
0x71: {  	_ =	shalt  }
0x72: {  	_ =	shalt  }
0x73: {  	_ =	shalt  }
0x74: {  	_ =	shalt  }
0x75: {  	_ =	shalt  }
0x76: {  	_ =	shalt  }
0x77: {  	_ =	shalt  }
0x78: {  	_ =	shalt  }
0x79: {  	_ =	shalt  }
0x7a: {  	_ =	shalt  }
0x7b: {  	_ =	shalt  }
0x7c: {  	_ =	shalt  }
0x7d: {  	_ =	shalt  }
0x7e: {  	_ =	shalt  }
0x7f: {  	_ =	shalt  }
0x80: {  	_ =	shalt  }
0x81: {  	_ =	shalt  }
0x82: {  	_ =	shalt  }
0x83: {  	_ =	shalt  }
0x84: {  	_ =	shalt  }
0x85: {  	_ =	shalt  }
0x86: {  	_ =	shalt  }
0x87: {  	_ =	shalt  }
.Lfunc_end0:
.L_simem_size_0:
called_computation.1_lowered:
.L_overlay_start_0:
0x88: {  	s2 =	sld [smem:$0x3FD9]  }
0x89: {  	s3 =	sld [smem:$0x3FFE];
	_ =	sdelay $0x1  }
0x8a: {  	s1 =	srdreg.scid  }
0x8b: {  	s0 =	sand.u32 $0x1, s1  }
0x8c: {  	s17 =	sshll.u32 s0, $0xA;
	s2 =	sadd.s32 s3, s2  }
0x8d: {  	s2 =	sadd.s32 s2, s17  }
0x8e: {  	[smem:$0x3FC2] =	sst s2  }
0x8f: {  	_ = 	snop  }
0x90: {  	s18 =	sld [smem:$0x3FC8];
	(tm) =	ssettm $0x1  }
0x91: {  	s19 =	sld [smem:$0x3FFB];
	_ =	sdelay $0x3  }
0x92: {  	_ =	strace s19  }
0x93: {  	s2 =	sld [smem:$0x3FFC];
	_ =	sdelay $0x3  }
0x94: {  	_ =	strace s2  }
0x95: {  	s2 =	sld [smem:$0x3FFD];
	_ =	sdelay $0x3  }
0x96: {  	_ =	strace s2  }
0x97: {  	_ =	strace $0x8FFFFFFF  }
0x98: {  	s20 =	sld [smem:$0x3FDB];
	_ =	sdelay $0x1  }
0x99: {  	s4 =	simm.s32 $_scs_section_size  }
0x9a: {  	s5 =	simm.s32 $_size__tile_overlayer_lowered;
	s6 =	simm.s32 $_tile_overlayer_lowered  }
0x9b: {  	s7 =	simm.s32 $0x1BFF;
	s21 =	sshll.u32 s6, $0x1;
	s4 =	sadd.s32 s4, s20  }
0x9c: {  	s22 =	simm.s32 $0x0;
	s5 =	sshll.u32 s5, $0x1;
	s6 =	sadd.s32 s21, s4  }
0x9d: {  	[timem:s22], [sflag:s7] =	dma.local [hbm:s6], s5  }
0x9e: {  	_ =	swait.ge [sflag:s7], s5  }
0x9f: {  	s5 =	ssub.s32 $0x0, s5;
	[sflag:s7] =	ssyncset.done $0x0  }
0xa0: {  	[sflag:s7] =	ssyncadd.s32 s5;
	_ =	sdelay $0x1  }
0xa1: {  	s23 =	simm.s32 $0x1B8B  }
0xa2: {  	_ =	swait.ge [sflag:s23], $0x1  }
0xa3: {  	[sflag:s23] =	ssyncset.done $0x0  }
0xa4: {  	[sflag:s23] =	ssyncadd.s32 $0xFFFFFFFF  }
0xa5: {  	s5 =	sld [smem:$0x0]  }
0xa6: {  	s6 =	sand.u32 $0xFFFFFFFE, s1  }
0xa7: {  	p0 =	sne.s32 s1, s6  }
0xa8: {  	s6 =	sshll.u32 @p0 s6, $0xE  }
0xa9: {  	s6 =	sadd.s32 @p0 $0x11B8D, s6;
	s7 =	sshll.u32 @p0 s5, $0x11  }
0xaa: {  	s6 =	sor.u32 @p0 s7, s6  }
0xab: {  	[sflag:s6] =	ssyncadd.remote.s32 @p0 $0x1;
	_ =	sdelay $0x1  }
0xac: {  	s6 =	simm.s32 @p0 $0x1B8D  }
0xad: {  	_ =	swait.eq @p0 [sflag:s6], $0x1  }
0xae: {  	[sflag:s6] =	ssyncadd.s32 @p0 $0xFFFFFFFF  }
0xaf: {  	s7 =	sshll.u32 @!p0 s1, $0xE  }
0xb0: {  	s7 =	sor.u32 @!p0 $0x4000, s7;
	s6 =	simm.s32 @!p0 $0x1B8D  }
0xb1: {  	s5 =	sshll.u32 @!p0 s5, $0x11;
	s7 =	sadd.s32 @!p0 $0x11B8D, s7;
	_ =	swait.eq @!p0 [sflag:s6], $0x1  }
0xb2: {  	s5 =	sor.u32 @!p0 s5, s7;
	[sflag:s6] =	ssyncadd.s32 @!p0 $0xFFFFFFFF  }
0xb3: {  	s25 =	simm.s32 $0x1B8E;
	s24 =	sld [smem:$0x3FFE];
	[sflag:s5] =	ssyncadd.remote.s32 @!p0 $0x1  }
0xb4: {  	s26 =	simm.s32 $execute0_lowered;
	[smem:$0x3FD2] =	sst s25  }
0xb5: {  	s6 =	sshll.u32 s26, $0x1;
	_ =	strace $0x80000049;
	[dreg:$0x1] =	wrdreg $0xFFFFFFFF  }
0xb6: {  	s28 =	simm.s32 $_size_execute0_lowered;
	s4 =	sadd.s32 s4, s6;
	[dreg:$0x0] =	wrdreg $0x0  }
0xb7: {  	s6 =	sshll.u32 s28, $0x1;
	[dreg:$0x2] =	wrdreg s4  }
0xb8: {  	[dreg:$0x3] =	wrdreg s6  }
0xb9: {  	[dreg:$0x4] =	wrdreg $0xC0  }
0xba: {  	_ =	task [dreg:s22], $0x5FFFF  }
0xbb: {  	[dreg:$0x1] =	wrdreg $0xFFFFFFFF  }
0xbc: {  	[dreg:$0x0] =	wrdreg $0x60  }
0xbd: {  	[dreg:$0x2] =	wrdreg s18  }
0xbe: {  	[dreg:$0x3] =	wrdreg s24  }
0xbf: {  	[dreg:$0x4] =	wrdreg $0xA  }
0xc0: {  	_ =	task.clear_ibuf [dreg:s22], $0x5FFFF;
	_ =	strace $0x90000049  }
0xc1: {  	s29 =	simm.s32 $0xA;
	_ =	strace $0x8000004B  }
0xc2: {  	_ =	swait.ge [sflag:s29], $0x1  }
0xc3: {  	[sflag:s29] =	ssyncadd.s32 $0xFFFFFFFF  }
0xc4: {  	_ =	strace $0x9000004B  }
0xc5: {  	_ =	sfence  }
0xc6: {  	s30 =	sld [smem:$0x0];
	_ =	sdelay $0x2  }
0xc7: {  	s31 =	sshll.u32 s1, $0xD;
	s1 =	sshrl.u32 s1, $0x2  }
0xc8: {  	s4 =	sand.u32 $0x4000, s31;
	s1 =	sadd.s32 s1, s30  }
0xc9: {  	s0 =	sor.u32 s4, s0;
	s1 =	sshll.u32 s1, $0x11  }
0xca: {  	s0 =	sor.u32 s1, s0  }
0xcb: {  	s0 =	sadd.s32 $0x8F2B, s0  }
0xcc: {  	[sflag:s0] =	ssyncadd.remote.s32 $0x1  }
0xcd: {  	_ =	sfence.sel $0xFFFF  }
0xce: {  	[dreg:$0x0] =	wrdreg $0xFFFFFFFF;
	(pc) =	sbr.abs _section_cstart, $3  }
0xcf: {  	[dreg:$0x1] =	wrdreg $0xFFFFFFFF  }
0xd0: {  	_ =	task.clear_ibuf [dreg:s22], $0x2FFFF;
	_ =	strace $0x9FFFFFFF  }
0xd1: {  	(tm) =	ssettm $0x7FFFFFFF  }
tec
execute0_lowered:
.L_overlay_start_1:
0x0: {  	(tag) =	ssettag $0x1  }
0x1: {  	s1 =	srdreg.scid;
	s0 =	stileid.u32  }
0x2: {  	s30 =	sand.u32 $0x1, s1;
	s26 =	sshll.u32 s0, $0x1  }
0x3: {  	s18 =	sor.u32 s30, s26  }
0x4: {  	s4 =	smul.u32 $0xC80, s18  }
0x5: {  	s2 =	rddreg [dreg:$0x0]  }
0x6: {  	s13 =	rddreg [dreg:$0x1];
	s3 =	simm.s32 $0x0;
	s4 =	sshrl.u32 s4, $0x3  }
0x7: {  	[smem:$0x7FF] =	sst s3;
	s26 =	sadd.s32 s4, s13  }
0x8: {  	s5 =	simm.s32 $0x1;
	_ =	strace $0x8000004A;
	s4 =	sadd.s32 $0x4600, s26  }
0x9: {  	[tilespmem:s3], [sflag:$0x1] =	stream.linear.gather [hbm4b:s4+s3], $0x190, $0x38;
	[tilespmem:$0x19400] =	vst v63  }
0xa: {  	_ =	swait.ge [sflag:s5], $0x190  }
0xb: {  	[sflag:s5] =	ssyncset.done $0x0  }
0xc: {  	s6 =	simm.s32 $0x190;
	s7 =	simm.s32 $0x400;
	[sflag:s5] =	ssyncadd.s32 $0xFFFFFE70  }
0xd: {  	[tilespmem:s7], [sflag:$0x3] =	stream.indirect.gather [hbm4b:s2+s6], $0x80, s3, s6, $0xb8;
	[tilespmem:$0x19400] =	vst v63  }
0xe: {  	s9 =	simm.s32 $0x200;
	s10 =	simm.s32 $0x3;
	s8 =	sadd.s32 $0x4632, s26  }
0xf: {  	[tilespmem:s9], [sflag:$0x2] =	stream.linear.gather [hbm4b:s8+s3], $0x190, $0x38;
	[tilespmem:$0x19400] =	vst v63  }
0x10: {  	_ =	swait.ge [sflag:s10], $0xC800  }
0x11: {  	[sflag:s10] =	ssyncset.done $0x0  }
0x12: {  	s12 =	simm.s32 $0x2;
	s11 =	sadd.s32 $0x4664, s26;
	[sflag:s10] =	ssyncadd.s32 $0xFFFF3800  }
0x13: {  	[tilespmem:s3], [sflag:$0x1] =	stream.linear.gather [hbm4b:s11+s3], $0x190, $0x38;
	[tilespmem:$0x19400] =	vst v63  }
0x14: {  	_ =	swait.ge [sflag:s12], $0x190  }
0x15: {  	s19 =	sadd.s32 $0x197800, s13;
	[sflag:s12] =	ssyncset.done $0x0  }
0x16: {  	s14 =	smul.u32 $0xC800, s18;
	s13 =	simm.s32 $0xCC00;
	[sflag:s12] =	ssyncadd.s32 $0xFFFFFE70  }
0x17: {  	[tilespmem:s13], [sflag:$0x4] =	stream.indirect.gather [hbm4b:s2+s6], $0x80, s9, s6, $0xb8;
	[tilespmem:$0x19400] =	vst v63  }
0x18: {  	s15 =	simm.s32 $0x4;
	s14 =	sadd.s32 s19, s14  }
0x19: {  	[hbm4b:s14+s3] =	stream.linear.scatter [tilespmem:s7], [sflag:$0x5], $0xC800, $0x38;
	[tilespmem:$0x19400] =	vst v63  }
0x1a: {  	_ =	swait.ge [sflag:s15], $0xC800  }
0x1b: {  	[sflag:s15] =	ssyncset.done $0x0  }
0x1c: {  	s16 =	simm.s32 $0x5;
	[sflag:s15] =	ssyncadd.s32 $0xFFFF3800  }
0x1d: {  	_ =	swait.ge [sflag:s16], $0xC800  }
0x1e: {  	[sflag:s16] =	ssyncset.done $0x0  }
0x1f: {  	s18 =	smul.u32 $0x64000, s18;
	s17 =	sadd.s32 $0x4696, s26;
	[sflag:s16] =	ssyncadd.s32 $0xFFFF3800  }
0x20: {  	[tilespmem:s9], [sflag:$0x2] =	stream.linear.gather [hbm4b:s17+s3], $0x190, $0x38;
	[tilespmem:$0x19400] =	vst v63  }
0x21: {  	_ =	swait.ge [sflag:s5], $0x190  }
0x22: {  	s18 =	sshrl.u32 s18, $0x3;
	[sflag:s5] =	ssyncset.done $0x0  }
0x23: {  	s31 =	sadd.s32 s19, s18;
	[sflag:s5] =	ssyncadd.s32 $0xFFFFFE70  }
0x24: {  	[tilespmem:s7], [sflag:$0x3] =	stream.indirect.gather [hbm4b:s2+s6], $0x80, s3, s6, $0xb8;
	[tilespmem:$0x19400] =	vst v63  }
0x25: {  	s18 =	sadd.s32 $0x1900, s31  }
0x26: {  	[hbm4b:s18+s3] =	stream.linear.scatter [tilespmem:s13], [sflag:$0x6], $0xC800, $0x38;
	[tilespmem:$0x19400] =	vst v63  }
0x27: {  	_ =	swait.ge [sflag:s10], $0xC800  }
0x28: {  	[sflag:s10] =	ssyncset.done $0x0  }
0x29: {  	s19 =	simm.s32 $0x6;
	[sflag:s10] =	ssyncadd.s32 $0xFFFF3800  }
0x2a: {  	_ =	swait.ge [sflag:s19], $0xC800  }
0x2b: {  	[sflag:s19] =	ssyncset.done $0x0  }
0x2c: {  	s20 =	sadd.s32 $0x46C8, s26;
	[sflag:s19] =	ssyncadd.s32 $0xFFFF3800  }
0x2d: {  	[tilespmem:s3], [sflag:$0x1] =	stream.linear.gather [hbm4b:s20+s3], $0x190, $0x38;
	[tilespmem:$0x19400] =	vst v63  }
0x2e: {  	_ =	swait.ge [sflag:s12], $0x190  }
0x2f: {  	[sflag:s12] =	ssyncset.done $0x0  }
0x30: {  	[sflag:s12] =	ssyncadd.s32 $0xFFFFFE70  }
0x31: {  	[tilespmem:s13], [sflag:$0x4] =	stream.indirect.gather [hbm4b:s2+s6], $0x80, s9, s6, $0xb8;
	[tilespmem:$0x19400] =	vst v63  }
0x32: {  	s21 =	sadd.s32 $0x3200, s31  }
0x33: {  	[hbm4b:s21+s3] =	stream.linear.scatter [tilespmem:s7], [sflag:$0x5], $0xC800, $0x38;
	[tilespmem:$0x19400] =	vst v63  }
0x34: {  	_ =	swait.ge [sflag:s15], $0xC800  }
0x35: {  	[sflag:s15] =	ssyncset.done $0x0  }
0x36: {  	[sflag:s15] =	ssyncadd.s32 $0xFFFF3800  }
0x37: {  	_ =	swait.ge [sflag:s16], $0xC800  }
0x38: {  	[sflag:s16] =	ssyncset.done $0x0  }
0x39: {  	s22 =	sadd.s32 $0x46FA, s26;
	[sflag:s16] =	ssyncadd.s32 $0xFFFF3800  }
0x3a: {  	[tilespmem:s9], [sflag:$0x2] =	stream.linear.gather [hbm4b:s22+s3], $0x190, $0x38;
	[tilespmem:$0x19400] =	vst v63  }
0x3b: {  	_ =	swait.ge [sflag:s5], $0x190  }
0x3c: {  	[sflag:s5] =	ssyncset.done $0x0  }
0x3d: {  	[sflag:s5] =	ssyncadd.s32 $0xFFFFFE70  }
0x3e: {  	[tilespmem:s7], [sflag:$0x3] =	stream.indirect.gather [hbm4b:s2+s6], $0x80, s3, s6, $0xb8;
	[tilespmem:$0x19400] =	vst v63  }
0x3f: {  	s23 =	sadd.s32 $0x4B00, s31  }
0x40: {  	[hbm4b:s23+s3] =	stream.linear.scatter [tilespmem:s13], [sflag:$0x6], $0xC800, $0x38;
	[tilespmem:$0x19400] =	vst v63  }
0x41: {  	_ =	swait.ge [sflag:s10], $0xC800  }
0x42: {  	[sflag:s10] =	ssyncset.done $0x0  }
0x43: {  	[sflag:s10] =	ssyncadd.s32 $0xFFFF3800  }
0x44: {  	_ =	swait.ge [sflag:s19], $0xC800  }
0x45: {  	[sflag:s19] =	ssyncset.done $0x0  }
0x46: {  	s24 =	sadd.s32 $0x472C, s26;
	[sflag:s19] =	ssyncadd.s32 $0xFFFF3800  }
0x47: {  	[tilespmem:s3], [sflag:$0x1] =	stream.linear.gather [hbm4b:s24+s3], $0x190, $0x38;
	[tilespmem:$0x19400] =	vst v63  }
0x48: {  	_ =	swait.ge [sflag:s12], $0x190  }
0x49: {  	[sflag:s12] =	ssyncset.done $0x0  }
0x4a: {  	[sflag:s12] =	ssyncadd.s32 $0xFFFFFE70  }
0x4b: {  	[tilespmem:s13], [sflag:$0x4] =	stream.indirect.gather [hbm4b:s2+s6], $0x80, s9, s6, $0xb8;
	[tilespmem:$0x19400] =	vst v63  }
0x4c: {  	s25 =	sadd.s32 $0x6400, s31  }
0x4d: {  	[hbm4b:s25+s3] =	stream.linear.scatter [tilespmem:s7], [sflag:$0x5], $0xC800, $0x38;
	[tilespmem:$0x19400] =	vst v63  }
0x4e: {  	_ =	swait.ge [sflag:s15], $0xC800  }
0x4f: {  	[sflag:s15] =	ssyncset.done $0x0  }
0x50: {  	[sflag:s15] =	ssyncadd.s32 $0xFFFF3800  }
0x51: {  	_ =	swait.ge [sflag:s16], $0xC800  }
0x52: {  	[sflag:s16] =	ssyncset.done $0x0  }
0x53: {  	s26 =	sadd.s32 $0x475E, s26;
	[sflag:s16] =	ssyncadd.s32 $0xFFFF3800  }
0x54: {  	[tilespmem:s9], [sflag:$0x2] =	stream.linear.gather [hbm4b:s26+s3], $0x190, $0x38;
	[tilespmem:$0x19400] =	vst v63  }
0x55: {  	_ =	swait.ge [sflag:s5], $0x190  }
0x56: {  	[sflag:s5] =	ssyncset.done $0x0  }
0x57: {  	[sflag:s5] =	ssyncadd.s32 $0xFFFFFE70  }
0x58: {  	[tilespmem:s7], [sflag:$0x3] =	stream.indirect.gather [hbm4b:s2+s6], $0x80, s3, s6, $0xb8;
	[tilespmem:$0x19400] =	vst v63  }
0x59: {  	s28 =	sadd.s32 $0x7D00, s31  }
0x5a: {  	[hbm4b:s28+s3] =	stream.linear.scatter [tilespmem:s13], [sflag:$0x6], $0xC800, $0x38;
	[tilespmem:$0x19400] =	vst v63  }
0x5b: {  	_ =	swait.ge [sflag:s10], $0xC800  }
0x5c: {  	[sflag:s10] =	ssyncset.done $0x0  }
0x5d: {  	[sflag:s10] =	ssyncadd.s32 $0xFFFF3800  }
0x5e: {  	_ =	swait.ge [sflag:s19], $0xC800  }
0x5f: {  	[sflag:s19] =	ssyncset.done $0x0  }
0x60: {  	[sflag:s19] =	ssyncadd.s32 $0xFFFF3800  }
0x61: {  	_ =	swait.ge [sflag:s12], $0x190  }
0x62: {  	[sflag:s12] =	ssyncset.done $0x0  }
0x63: {  	[sflag:s12] =	ssyncadd.s32 $0xFFFFFE70  }
0x64: {  	[tilespmem:s13], [sflag:$0x4] =	stream.indirect.gather [hbm4b:s2+s6], $0x80, s9, s6, $0xb8;
	[tilespmem:$0x19400] =	vst v63  }
0x65: {  	s30 =	ssub.s32 $0x2, s30;
	s29 =	sadd.s32 $0x9600, s31  }
0x66: {  	[hbm4b:s29+s3] =	stream.linear.scatter [tilespmem:s7], [sflag:$0x5], $0xC800, $0x38;
	[tilespmem:$0x19400] =	vst v63  }
0x67: {  	s1 =	sshrl.u32 s30, $0x1;
	_ =	swait.ge [sflag:s15], $0xC800  }
0x68: {  	s1 =	ssub.s32 s30, s1;
	[sflag:s15] =	ssyncset.done $0x0  }
0x69: {  	s1 =	smax.u32 s1, $0x1;
	[sflag:s15] =	ssyncadd.s32 $0xFFFF3800  }
0x6a: {  	p0 =	sne.s32 s1, $0x1;
	_ =	swait.ge [sflag:s16], $0xC800  }
.Ltmp0:
0x6b: {  	[sflag:s16] =	ssyncset.done $0x0;
	(pc) =	sbr.rel @!p0 .LBB2_2-.Ltmp0, $4  }
0x6c: {  	s30 =	sadd.s32 $0xAF00, s31;
	[sflag:s16] =	ssyncadd.s32 $0xFFFF3800  }
0x6d: {  	[hbm4b:s30+s3] =	stream.linear.scatter [tilespmem:s13], [sflag:$0x6], $0xC800, $0x38;
	[tilespmem:$0x19400] =	vst v63  }
0x6e: {  	_ =	swait.ge [sflag:s19], $0xC800  }
0x6f: {  	s31 =	sadd.s32 $0xFFFFFFFF, s1;
	[sflag:s19] =	ssyncset.done $0x0  }
.LBB2_1:
0x70: {  	p0 =	sne.s32 s31, $0x1;
	s31 =	sadd.s32 $0xFFFFFFFF, s31;
	[sflag:s19] =	ssyncadd.s32 $0xFFFF3800  }
0x71: {  	[tilespmem:s3], [sflag:$0x1] =	stream.linear.gather [hbm4b:s4+s3], $0x190, $0x38;
	[tilespmem:$0x19400] =	vst v63  }
0x72: {  	_ =	swait.ge [sflag:s5], $0x190  }
0x73: {  	[sflag:s5] =	ssyncset.done $0x0  }
0x74: {  	[sflag:s5] =	ssyncadd.s32 $0xFFFFFE70  }
0x75: {  	[tilespmem:s7], [sflag:$0x3] =	stream.indirect.gather [hbm4b:s2+s6], $0x80, s3, s6, $0xb8;
	[tilespmem:$0x19400] =	vst v63  }
0x76: {  	_ = 	snop  }
0x77: {  	[tilespmem:s9], [sflag:$0x2] =	stream.linear.gather [hbm4b:s8+s3], $0x190, $0x38;
	[tilespmem:$0x19400] =	vst v63  }
0x78: {  	_ =	swait.ge [sflag:s10], $0xC800  }
0x79: {  	[sflag:s10] =	ssyncset.done $0x0  }
0x7a: {  	[sflag:s10] =	ssyncadd.s32 $0xFFFF3800  }
0x7b: {  	[tilespmem:s3], [sflag:$0x1] =	stream.linear.gather [hbm4b:s11+s3], $0x190, $0x38;
	[tilespmem:$0x19400] =	vst v63  }
0x7c: {  	_ =	swait.ge [sflag:s12], $0x190  }
0x7d: {  	[sflag:s12] =	ssyncset.done $0x0  }
0x7e: {  	[sflag:s12] =	ssyncadd.s32 $0xFFFFFE70  }
0x7f: {  	[tilespmem:s13], [sflag:$0x4] =	stream.indirect.gather [hbm4b:s2+s6], $0x80, s9, s6, $0xb8;
	[tilespmem:$0x19400] =	vst v63  }
0x80: {  	_ = 	snop  }
0x81: {  	[hbm4b:s14+s3] =	stream.linear.scatter [tilespmem:s7], [sflag:$0x5], $0xC800, $0x38;
	[tilespmem:$0x19400] =	vst v63  }
0x82: {  	_ =	swait.ge [sflag:s15], $0xC800  }
0x83: {  	[sflag:s15] =	ssyncset.done $0x0  }
0x84: {  	[sflag:s15] =	ssyncadd.s32 $0xFFFF3800  }
0x85: {  	_ =	swait.ge [sflag:s16], $0xC800  }
0x86: {  	[sflag:s16] =	ssyncset.done $0x0  }
0x87: {  	[sflag:s16] =	ssyncadd.s32 $0xFFFF3800  }
0x88: {  	[tilespmem:s9], [sflag:$0x2] =	stream.linear.gather [hbm4b:s17+s3], $0x190, $0x38;
	[tilespmem:$0x19400] =	vst v63  }
0x89: {  	_ =	swait.ge [sflag:s5], $0x190  }
0x8a: {  	[sflag:s5] =	ssyncset.done $0x0  }
0x8b: {  	[sflag:s5] =	ssyncadd.s32 $0xFFFFFE70  }
0x8c: {  	[tilespmem:s7], [sflag:$0x3] =	stream.indirect.gather [hbm4b:s2+s6], $0x80, s3, s6, $0xb8;
	[tilespmem:$0x19400] =	vst v63  }
0x8d: {  	_ = 	snop  }
0x8e: {  	[hbm4b:s18+s3] =	stream.linear.scatter [tilespmem:s13], [sflag:$0x6], $0xC800, $0x38;
	[tilespmem:$0x19400] =	vst v63  }
0x8f: {  	_ =	swait.ge [sflag:s10], $0xC800  }
0x90: {  	[sflag:s10] =	ssyncset.done $0x0  }
0x91: {  	[sflag:s10] =	ssyncadd.s32 $0xFFFF3800  }
0x92: {  	_ =	swait.ge [sflag:s19], $0xC800  }
0x93: {  	[sflag:s19] =	ssyncset.done $0x0  }
0x94: {  	[sflag:s19] =	ssyncadd.s32 $0xFFFF3800  }
0x95: {  	[tilespmem:s3], [sflag:$0x1] =	stream.linear.gather [hbm4b:s20+s3], $0x190, $0x38;
	[tilespmem:$0x19400] =	vst v63  }
0x96: {  	_ =	swait.ge [sflag:s12], $0x190  }
0x97: {  	[sflag:s12] =	ssyncset.done $0x0  }
0x98: {  	[sflag:s12] =	ssyncadd.s32 $0xFFFFFE70  }
0x99: {  	[tilespmem:s13], [sflag:$0x4] =	stream.indirect.gather [hbm4b:s2+s6], $0x80, s9, s6, $0xb8;
	[tilespmem:$0x19400] =	vst v63  }
0x9a: {  	_ = 	snop  }
0x9b: {  	[hbm4b:s21+s3] =	stream.linear.scatter [tilespmem:s7], [sflag:$0x5], $0xC800, $0x38;
	[tilespmem:$0x19400] =	vst v63  }
0x9c: {  	_ =	swait.ge [sflag:s15], $0xC800  }
0x9d: {  	[sflag:s15] =	ssyncset.done $0x0  }
0x9e: {  	[sflag:s15] =	ssyncadd.s32 $0xFFFF3800  }
0x9f: {  	_ =	swait.ge [sflag:s16], $0xC800  }
0xa0: {  	[sflag:s16] =	ssyncset.done $0x0  }
0xa1: {  	[sflag:s16] =	ssyncadd.s32 $0xFFFF3800  }
0xa2: {  	[tilespmem:s9], [sflag:$0x2] =	stream.linear.gather [hbm4b:s22+s3], $0x190, $0x38;
	[tilespmem:$0x19400] =	vst v63  }
0xa3: {  	_ =	swait.ge [sflag:s5], $0x190  }
0xa4: {  	[sflag:s5] =	ssyncset.done $0x0  }
0xa5: {  	[sflag:s5] =	ssyncadd.s32 $0xFFFFFE70  }
0xa6: {  	[tilespmem:s7], [sflag:$0x3] =	stream.indirect.gather [hbm4b:s2+s6], $0x80, s3, s6, $0xb8;
	[tilespmem:$0x19400] =	vst v63  }
0xa7: {  	_ = 	snop  }
0xa8: {  	[hbm4b:s23+s3] =	stream.linear.scatter [tilespmem:s13], [sflag:$0x6], $0xC800, $0x38;
	[tilespmem:$0x19400] =	vst v63  }
0xa9: {  	_ =	swait.ge [sflag:s10], $0xC800  }
0xaa: {  	[sflag:s10] =	ssyncset.done $0x0  }
0xab: {  	[sflag:s10] =	ssyncadd.s32 $0xFFFF3800  }
0xac: {  	_ =	swait.ge [sflag:s19], $0xC800  }
0xad: {  	[sflag:s19] =	ssyncset.done $0x0  }
0xae: {  	[sflag:s19] =	ssyncadd.s32 $0xFFFF3800  }
0xaf: {  	[tilespmem:s3], [sflag:$0x1] =	stream.linear.gather [hbm4b:s24+s3], $0x190, $0x38;
	[tilespmem:$0x19400] =	vst v63  }
0xb0: {  	_ =	swait.ge [sflag:s12], $0x190  }
0xb1: {  	[sflag:s12] =	ssyncset.done $0x0  }
0xb2: {  	[sflag:s12] =	ssyncadd.s32 $0xFFFFFE70  }
0xb3: {  	[tilespmem:s13], [sflag:$0x4] =	stream.indirect.gather [hbm4b:s2+s6], $0x80, s9, s6, $0xb8;
	[tilespmem:$0x19400] =	vst v63  }
0xb4: {  	_ = 	snop  }
0xb5: {  	[hbm4b:s25+s3] =	stream.linear.scatter [tilespmem:s7], [sflag:$0x5], $0xC800, $0x38;
	[tilespmem:$0x19400] =	vst v63  }
0xb6: {  	_ =	swait.ge [sflag:s15], $0xC800  }
0xb7: {  	[sflag:s15] =	ssyncset.done $0x0  }
0xb8: {  	[sflag:s15] =	ssyncadd.s32 $0xFFFF3800  }
0xb9: {  	_ =	swait.ge [sflag:s16], $0xC800  }
0xba: {  	[sflag:s16] =	ssyncset.done $0x0  }
0xbb: {  	[sflag:s16] =	ssyncadd.s32 $0xFFFF3800  }
0xbc: {  	[tilespmem:s9], [sflag:$0x2] =	stream.linear.gather [hbm4b:s26+s3], $0x190, $0x38;
	[tilespmem:$0x19400] =	vst v63  }
0xbd: {  	_ =	swait.ge [sflag:s5], $0x190  }
0xbe: {  	[sflag:s5] =	ssyncset.done $0x0  }
0xbf: {  	[sflag:s5] =	ssyncadd.s32 $0xFFFFFE70  }
0xc0: {  	[tilespmem:s7], [sflag:$0x3] =	stream.indirect.gather [hbm4b:s2+s6], $0x80, s3, s6, $0xb8;
	[tilespmem:$0x19400] =	vst v63  }
0xc1: {  	_ = 	snop  }
0xc2: {  	[hbm4b:s28+s3] =	stream.linear.scatter [tilespmem:s13], [sflag:$0x6], $0xC800, $0x38;
	[tilespmem:$0x19400] =	vst v63  }
0xc3: {  	_ =	swait.ge [sflag:s10], $0xC800  }
0xc4: {  	[sflag:s10] =	ssyncset.done $0x0  }
0xc5: {  	[sflag:s10] =	ssyncadd.s32 $0xFFFF3800  }
0xc6: {  	_ =	swait.ge [sflag:s19], $0xC800  }
0xc7: {  	[sflag:s19] =	ssyncset.done $0x0  }
0xc8: {  	[sflag:s19] =	ssyncadd.s32 $0xFFFF3800  }
0xc9: {  	_ =	swait.ge [sflag:s12], $0x190  }
0xca: {  	[sflag:s12] =	ssyncset.done $0x0  }
0xcb: {  	[sflag:s12] =	ssyncadd.s32 $0xFFFFFE70  }
0xcc: {  	[tilespmem:s13], [sflag:$0x4] =	stream.indirect.gather [hbm4b:s2+s6], $0x80, s9, s6, $0xb8;
	[tilespmem:$0x19400] =	vst v63  }
0xcd: {  	_ = 	snop  }
0xce: {  	[hbm4b:s29+s3] =	stream.linear.scatter [tilespmem:s7], [sflag:$0x5], $0xC800, $0x38;
	[tilespmem:$0x19400] =	vst v63  }
0xcf: {  	_ =	swait.ge [sflag:s15], $0xC800  }
0xd0: {  	[sflag:s15] =	ssyncset.done $0x0  }
0xd1: {  	[sflag:s15] =	ssyncadd.s32 $0xFFFF3800  }
0xd2: {  	_ =	swait.ge [sflag:s16], $0xC800  }
.Ltmp1:
0xd3: {  	[sflag:s16] =	ssyncset.done $0x0;
	(pc) =	sbr.rel @p0 .LBB2_1-.Ltmp1, $4  }
0xd4: {  	[sflag:s16] =	ssyncadd.s32 $0xFFFF3800  }
0xd5: {  	[hbm4b:s30+s3] =	stream.linear.scatter [tilespmem:s13], [sflag:$0x6], $0xC800, $0x38;
	[tilespmem:$0x19400] =	vst v63  }
0xd6: {  	_ =	swait.ge [sflag:s19], $0xC800  }
0xd7: {  	[sflag:s19] =	ssyncset.done $0x0  }
.LBB2_2:
0xd8: {  	[sflag:s19] =	ssyncadd.s32 $0xFFFF3800  }
0xd9: {  	_ =	sfence.sel $0x180000  }
0xda: {  	[bflag:$0x0] =	sbarrier.arrive $0xFFFF  }
0xdb: {  	_ =	strace $0x9000004A  }
0xdc: {  	[bflag:$0x2] =	sbarrier.arrive $0xFFFF  }
0xdd: {  	p0 =	sne.s32 s0, $0x0;
	s0 =	rddreg [dreg:$0x2]  }
0xde: {  	s0 =	sadd.s32 @!p0 $0x100000, s0  }
0xdf: {  	[sflag:s0] =	ssyncadd.tile.s32 @!p0 $0x1;
	_ =	shalt  }
.Lfunc_end2:
_tile_overlayer_lowered:
.L_overlay_start_2:
0xe0: {  	(tag) =	ssettag $0x2  }
0xe1: {  	s0 =	rddreg [dreg:$0x0];
	s2 =	stileid.u32  }
0xe2: {  	s1 =	rddreg [dreg:$0x1];
	p0 =	sne.s32 s2, $0x0  }
0xe3: {  	s3 =	rddreg [dreg:$0x2];
	[bflag:$0x3] =	sbarrier.arrive $0xFFFF;
	s2 =	simm.s32 @!p0 $0x1C07  }
0xe4: {  	[timem:s3], [sflag:s2] =	dma.local @!p0 [hbm:s0], s1  }
0xe5: {  	s0 =	simm.s32 @!p0 $0x7  }
0xe6: {  	_ =	swait.ge @!p0 [sflag:s0], s1  }
0xe7: {  	s1 =	ssub.s32 @!p0 $0x0, s1;
	[sflag:s0] =	ssyncset.done @!p0 $0x0  }
0xe8: {  	[sflag:s0] =	ssyncadd.s32 @!p0 s1  }
0xe9: {  	[bflag:$0x3] =	sbarrier.arrive $0xFFFF  }
0xea: {  	_ =	shalt  }

</sc_bundles>
